<compile_context>
chip_gen: v7x
topology: tpu7x:2x2x1
jax: 0.10.2.dev20260603
libtpu: 0.0.44.dev20260713+nightly
codegen_flags: <defaults>
</compile_context>

<pallas_src>
import functools

import jax
import jax.numpy as jnp
from jax import lax
from jax.experimental import pallas as pl
from jax.experimental.pallas import tpu as pltpu
from jax.experimental.pallas import tpu_sc as plsc

N_NODES = 50000
N_EDGES = 800000
F_IN = 100
HID = 32
N_CLS = 2

PAD_IDX = N_NODES
NTAB = 50016
PACKED = NTAB * HID // 128
ROWS_PER_TILE = 3128
LAST_ROWS = NTAB - 15 * ROWS_PER_TILE
CHUNK = 128
NSLOT = 7
LAG_G = 2
LAG_S = 4
NB = 3
BROW = PACKED // NB
NODE_B = NTAB // NB


def _sc_info():
    try:
        info = plsc.get_sparse_core_info()
        return info.num_cores, info.num_subcores
    except Exception:
        return 2, 16



def _zero_acc(z_h, acc, sid, ns):
    @pl.when(sid < ns - 1)
    def _():
        pltpu.sync_copy(z_h.at[pl.ds(sid * ROWS_PER_TILE, ROWS_PER_TILE)],
                        acc.at[pl.ds(sid * ROWS_PER_TILE, ROWS_PER_TILE)])
    @pl.when(sid == ns - 1)
    def _():
        pltpu.sync_copy(z_h.at[pl.ds((ns - 1) * ROWS_PER_TILE, LAST_ROWS)],
                        acc.at[pl.ds((ns - 1) * ROWS_PER_TILE, LAST_ROWS)])


def _write_acc(acc, out_h, cid, sid, ns):
    @pl.when(sid < ns - 1)
    def _():
        pltpu.sync_copy(acc.at[pl.ds(sid * ROWS_PER_TILE, ROWS_PER_TILE)],
                        out_h.at[cid, pl.ds(sid * ROWS_PER_TILE, ROWS_PER_TILE)])
    @pl.when(sid == ns - 1)
    def _():
        pltpu.sync_copy(acc.at[pl.ds((ns - 1) * ROWS_PER_TILE, LAST_ROWS)],
                        out_h.at[cid, pl.ds((ns - 1) * ROWS_PER_TILE, LAST_ROWS)])


def _sc_degree(eidx, zeros2, ones):
    nc, ns = _sc_info()
    nch = eidx.shape[2]
    mesh = plsc.VectorSubcoreMesh(core_axis_name="c", subcore_axis_name="s")

    @functools.partial(
        pl.kernel,
        out_type=jax.ShapeDtypeStruct((nc, NTAB, HID), jnp.float32),
        mesh=mesh,
        compiler_params=pltpu.CompilerParams(use_tc_tiling_on_sc=False),
        scratch_types=[
            pltpu.VMEM((NSLOT, 2, CHUNK), jnp.int32),
            pltpu.VMEM((CHUNK, HID), jnp.float32),
            pltpu.VMEM_SHARED((NTAB, HID), jnp.float32),
            pltpu.SemaphoreType.DMA((NSLOT,)),
            pltpu.SemaphoreType.DMA((NSLOT,)),
        ],
    )
    def k(ei_h, z_h, ones_h, out_h, idx_v, ones_v, acc, isem, ssem):
        cid = lax.axis_index("c")
        sid = lax.axis_index("s")
        wid = sid * nc + cid
        _zero_acc(z_h, acc, sid, ns)
        pltpu.sync_copy(ones_h, ones_v)
        plsc.subcore_barrier()

        @pl.loop(0, nch + LAG_G)
        def _(c):
            @pl.when(c < nch)
            def _():
                j = lax.rem(c, NSLOT)
                @pl.when(c >= NSLOT)
                def _():
                    pltpu.make_async_copy(ones_v, acc.at[idx_v.at[j, 1]],
                                          ssem.at[j]).wait()
                pltpu.async_copy(ei_h.at[:, wid, c], idx_v.at[j], isem.at[j])
            @pl.when(c >= LAG_G)
            def _():
                s = c - LAG_G
                j = lax.rem(s, NSLOT)
                pltpu.make_async_copy(ei_h.at[:, wid, 0], idx_v.at[j],
                                      isem.at[j]).wait()
                pltpu.async_copy(ones_v, acc.at[idx_v.at[j, 1]],
                                 ssem.at[j], add=True)

        @pl.loop(0, NSLOT)
        def _(j):
            pltpu.make_async_copy(ones_v, acc.at[idx_v.at[j, 1]],
                                  ssem.at[j]).wait()

        plsc.subcore_barrier()
        _write_acc(acc, out_h, cid, sid, ns)

    return k(eidx, zeros2, ones)


def _sc_seg_sum(table, eidx, zeros2):
    nc, ns = _sc_info()
    nch = eidx.shape[2]
    mesh = plsc.VectorSubcoreMesh(core_axis_name="c", subcore_axis_name="s")

    @functools.partial(
        pl.kernel,
        out_type=jax.ShapeDtypeStruct((nc, NTAB, HID), jnp.float32),
        mesh=mesh,
        compiler_params=pltpu.CompilerParams(use_tc_tiling_on_sc=False),
        scratch_types=[
            pltpu.VMEM((NSLOT, 2, CHUNK), jnp.int32),
            pltpu.VMEM((NSLOT, CHUNK, HID), jnp.float32),
            pltpu.VMEM_SHARED((NTAB, HID), jnp.float32),
            pltpu.SemaphoreType.DMA((NSLOT,)),
            pltpu.SemaphoreType.DMA((NSLOT,)),
            pltpu.SemaphoreType.DMA((NSLOT,)),
        ],
    )
    def k(tab_h, ei_h, z_h, out_h, idx_v, data_v, acc, isem, gsem, ssem):
        cid = lax.axis_index("c")
        sid = lax.axis_index("s")
        wid = sid * nc + cid
        _zero_acc(z_h, acc, sid, ns)
        plsc.subcore_barrier()

        @pl.loop(0, nch + LAG_S)
        def _(c):
            @pl.when(c < nch)
            def _():
                j = lax.rem(c, NSLOT)
                @pl.when(c >= NSLOT)
                def _():
                    pltpu.make_async_copy(data_v.at[j], acc.at[idx_v.at[j, 1]],
                                          ssem.at[j]).wait()
                pltpu.async_copy(ei_h.at[:, wid, c], idx_v.at[j], isem.at[j])
            @pl.when(jnp.logical_and(c >= LAG_G, c < nch + LAG_G))
            def _():
                g = c - LAG_G
                j = lax.rem(g, NSLOT)
                pltpu.make_async_copy(ei_h.at[:, wid, 0], idx_v.at[j],
                                      isem.at[j]).wait()
                pltpu.async_copy(tab_h.at[idx_v.at[j, 0]], data_v.at[j],
                                 gsem.at[j])
            @pl.when(c >= LAG_S)
            def _():
                s = c - LAG_S
                j = lax.rem(s, NSLOT)
                pltpu.make_async_copy(tab_h.at[idx_v.at[j, 0]], data_v.at[j],
                                      gsem.at[j]).wait()
                pltpu.async_copy(data_v.at[j], acc.at[idx_v.at[j, 1]],
                                 ssem.at[j], add=True)

        @pl.loop(0, NSLOT)
        def _(j):
            pltpu.make_async_copy(data_v.at[j], acc.at[idx_v.at[j, 1]],
                                  ssem.at[j]).wait()

        plsc.subcore_barrier()
        _write_acc(acc, out_h, cid, sid, ns)

    return k(table, eidx, zeros2)



def _tc_in(x4, wblk, degp):
    def body(x_ref, w_ref, d_ref, dinv_ref, t1_ref, r1_ref):
        y = jnp.dot(x_ref[...], w_ref[...], preferred_element_type=jnp.float32)
        deg = d_ref[0] + d_ref[1]
        dinv = jnp.where(deg > 0, lax.rsqrt(jnp.maximum(deg, 1.0)), 0.0)
        dinv_ref[...] = dinv
        t1_ref[...] = y[:, :128] * dinv
        r1_ref[...] = y[:, 128:]
    return pl.pallas_call(
        body,
        grid=(NB,),
        in_specs=[pl.BlockSpec((BROW, 4 * F_IN), lambda i: (i, 0)),
                  pl.BlockSpec((4 * F_IN, 256), lambda i: (0, 0)),
                  pl.BlockSpec((2, BROW, 128), lambda i: (0, i, 0))],
        out_specs=[pl.BlockSpec((BROW, 128), lambda i: (i, 0)),
                   pl.BlockSpec((BROW, 128), lambda i: (i, 0)),
                   pl.BlockSpec((BROW, 128), lambda i: (i, 0))],
        out_shape=[jax.ShapeDtypeStruct((PACKED, 128), jnp.float32),
                   jax.ShapeDtypeStruct((PACKED, 128), jnp.float32),
                   jax.ShapeDtypeStruct((PACKED, 128), jnp.float32)],
    )(x4, wblk, degp)


def _tc_layer1(p1, dinv, r1p, b1t):
    def body(p_ref, d_ref, r_ref, b_ref, h_ref, t2_ref):
        s = (p_ref[0] + p_ref[1]) * d_ref[...]
        h = jnp.maximum(s + r_ref[...] + b_ref[...], 0.0)
        h_ref[...] = h
        t2_ref[...] = h * d_ref[...]
    return pl.pallas_call(
        body,
        grid=(NB,),
        in_specs=[pl.BlockSpec((2, BROW, 128), lambda i: (0, i, 0)),
                  pl.BlockSpec((BROW, 128), lambda i: (i, 0)),
                  pl.BlockSpec((BROW, 128), lambda i: (i, 0)),
                  pl.BlockSpec((1, 128), lambda i: (0, 0))],
        out_specs=[pl.BlockSpec((BROW, 128), lambda i: (i, 0)),
                   pl.BlockSpec((BROW, 128), lambda i: (i, 0))],
        out_shape=[jax.ShapeDtypeStruct((PACKED, 128), jnp.float32),
                   jax.ShapeDtypeStruct((PACKED, 128), jnp.float32)],
    )(p1, dinv, r1p, b1t)


def _tc_layer2(p2, dinv, hp, w2blk, v2blk, b2t):
    def body(p_ref, d_ref, h_ref, w_ref, v_ref, b_ref, o_ref):
        z = (p_ref[0] + p_ref[1]) * d_ref[...]
        o = jnp.dot(z, w_ref[...], preferred_element_type=jnp.float32)
        o += jnp.dot(h_ref[...], v_ref[...], preferred_element_type=jnp.float32)
        o = jnp.maximum(o + b_ref[...], 0.0)
        left = jnp.concatenate([o[:, 1:], o[:, :1]], axis=1)
        right = jnp.concatenate([o[:, -1:], o[:, :-1]], axis=1)
        parity = lax.rem(lax.broadcasted_iota(jnp.int32, o.shape, 1), 2)
        partner = jnp.where(parity == 0, left, right)
        m = jnp.maximum(o, partner)
        lse = m + jnp.log(jnp.exp(o - m) + jnp.exp(partner - m))
        o_ref[...] = o - lse
    return pl.pallas_call(
        body,
        grid=(NB,),
        in_specs=[pl.BlockSpec((2, BROW, 128), lambda i: (0, i, 0)),
                  pl.BlockSpec((BROW, 128), lambda i: (i, 0)),
                  pl.BlockSpec((BROW, 128), lambda i: (i, 0)),
                  pl.BlockSpec((4 * HID, 4 * N_CLS), lambda i: (0, 0)),
                  pl.BlockSpec((4 * HID, 4 * N_CLS), lambda i: (0, 0)),
                  pl.BlockSpec((1, 4 * N_CLS), lambda i: (0, 0))],
        out_specs=pl.BlockSpec((BROW, 4 * N_CLS), lambda i: (i, 0)),
        out_shape=jax.ShapeDtypeStruct((PACKED, 4 * N_CLS), jnp.float32),
    )(p2, dinv, hp, w2blk, v2blk, b2t)



def kernel(x, edge_index, W1, V1, b1, W2, V2, b2):
    nc, ns = _sc_info()
    nw = nc * ns
    nch = -(-N_EDGES // (nw * CHUNK))
    e_pad = nw * nch * CHUNK
    npad = e_pad - N_EDGES

    eip = jnp.pad(edge_index, ((0, 0), (0, npad)), constant_values=PAD_IDX)
    eidx = eip.reshape(2, nw, nch, CHUNK)

    x4 = jnp.pad(x, ((0, NTAB - N_NODES), (0, 0))).reshape(PACKED, 4 * F_IN)
    zeros2 = jnp.zeros((NTAB, HID), jnp.float32)
    ones = jnp.ones((CHUNK, HID), jnp.float32)
    eye4 = jnp.eye(4, dtype=jnp.float32)
    w1blk = jnp.einsum("ij,ab->iajb", eye4, W1).reshape(4 * F_IN, 128)
    v1blk = jnp.einsum("ij,ab->iajb", eye4, V1).reshape(4 * F_IN, 128)
    wblk = jnp.concatenate([w1blk, v1blk], axis=1)
    w2blk = jnp.einsum("ij,ab->iajb", eye4, W2).reshape(4 * HID, 4 * N_CLS)
    v2blk = jnp.einsum("ij,ab->iajb", eye4, V2).reshape(4 * HID, 4 * N_CLS)
    b1t = jnp.tile(b1, 4).reshape(1, 128)
    b2t = jnp.tile(b2, 4).reshape(1, 4 * N_CLS)

    degp = _sc_degree(eidx, zeros2, ones)
    degpk = degp.reshape(nc, PACKED, 128)
    dinv, t1pk, r1pk = _tc_in(x4, wblk, degpk)
    p1 = _sc_seg_sum(t1pk.reshape(NTAB, HID), eidx, zeros2)
    hpk, t2pk = _tc_layer1(p1.reshape(nc, PACKED, 128), dinv, r1pk, b1t)
    p2 = _sc_seg_sum(t2pk.reshape(NTAB, HID), eidx, zeros2)
    outp = _tc_layer2(p2.reshape(nc, PACKED, 128), dinv, hpk, w2blk, v2blk,
                      b2t)
    return outp.reshape(NTAB, N_CLS)[:N_NODES]

# --- scband reference (transcript-rebuilt; emitter-appended) ---
"""Pipeline reference for scband-arma-72241349918728 (READ-ONLY COPY).

The authoritative reference and input builder live on the scoring server;
editing this copy changes nothing except your own understanding.
"""

import jax, jax.numpy as jnp
import numpy as np

N_NODES = 50000
N_EDGES = 800000
F_IN = 100
HID = 32
N_CLS = 2


def setup_inputs(seed: int = 0) -> dict:
    key = jax.random.key(seed)
    ks = jax.random.split(key, 8)
    x = jax.random.normal(ks[0], (N_NODES, F_IN), dtype=jnp.float32)
    edge_index = jax.random.randint(ks[1], (2, N_EDGES), 0, N_NODES, dtype=jnp.int32)
    # ARMAConv (num_stacks=1, num_layers=1) params: init_weight W, root_weight V, bias b
    s1 = 1.0 / np.sqrt(F_IN)
    s2 = 1.0 / np.sqrt(HID)
    W1 = jax.random.normal(ks[2], (F_IN, HID), dtype=jnp.float32) * s1
    V1 = jax.random.normal(ks[3], (F_IN, HID), dtype=jnp.float32) * s1
    b1 = jnp.zeros((HID,), dtype=jnp.float32)
    W2 = jax.random.normal(ks[4], (HID, N_CLS), dtype=jnp.float32) * s2
    V2 = jax.random.normal(ks[5], (HID, N_CLS), dtype=jnp.float32) * s2
    b2 = jnp.zeros((N_CLS,), dtype=jnp.float32)
    return {"x": x, "edge_index": edge_index, "W1": W1, "V1": V1, "b1": b1,
            "W2": W2, "V2": V2, "b2": b2}


def _gcn_norm(edge_index, num_nodes):
    # gcn_norm with add_self_loops=False, edge_weight=1
    row, col = edge_index[0], edge_index[1]
    deg = jnp.zeros((num_nodes,), jnp.float32).at[col].add(1.0)
    dinv = jnp.where(deg > 0, jax.lax.rsqrt(jnp.maximum(deg, 1.0)), 0.0)
    return dinv[row] * dinv[col]


def _arma_conv(x, edge_index, norm, W, V, b):
    # single-stack, single-layer ARMAConv: act(P @ (x W) + x V + b)
    h = x @ W                                  # init_weight transform
    msg = jnp.take(h, edge_index[0], axis=0) * norm[:, None]   # gather from src
    agg = jnp.zeros_like(h).at[edge_index[1]].add(msg)          # scatter-add to dst
    root = x @ V                               # root_weight (skip) term
    return jax.nn.relu(agg + root + b)


def reference(x, edge_index, W1, V1, b1, W2, V2, b2):
    norm = _gcn_norm(edge_index, x.shape[0])
    h = jax.nn.relu(_arma_conv(x, edge_index, norm, W1, V1, b1))
    # F.dropout(x, 0.2) omitted for deterministic inference reference
    out = _arma_conv(h, edge_index, norm, W2, V2, b2)
    return jax.nn.log_softmax(out, axis=1)

if __name__ == "__main__":
    import jax
    _d = setup_inputs()
    print(jax.jit(kernel)(*tuple(_d.values())))

</pallas_src>

<mosaic_0001>
#map = affine_map<(d0, d1) -> (0, 0, 0, 0)>
#map1 = affine_map<(d0, d1) -> (0, 0)>
#map2 = affine_map<(d0, d1) -> (0, 0, 0)>
module attributes {stable_mosaic.version = 14 : i64} {
  func.func @k(%arg0: i32, %arg1: i32, %arg2: memref<2x32x196x128xi32, #tpu.memory_space<hbm>>, %arg3: memref<50016x32xf32, #tpu.memory_space<hbm>>, %arg4: memref<128x32xf32, #tpu.memory_space<hbm>>, %arg5: memref<2x50016x32xf32, #tpu.memory_space<hbm>>, %arg6: memref<7x2x128xi32, #tpu.memory_space<vmem>>, %arg7: memref<128x32xf32, #tpu.memory_space<vmem>>, %arg8: memref<50016x32xf32, #tpu.memory_space<vmem_shared>>, %arg9: memref<7x!tpu.dma_semaphore, #tpu.memory_space<semaphore_mem>>, %arg10: memref<7x!tpu.dma_semaphore, #tpu.memory_space<semaphore_mem>>) attributes {dimension_semantics = [#tpu.dimension_semantics<core_parallel>, #tpu.dimension_semantics<subcore_parallel>], iteration_bounds = array<i64: 2, 16>, scalar_prefetch = 0 : i64, scratch_operands = 5 : i64, tpu.core_type = #tpu.core_type<sc_vector_subcore>, window_params = [{transform_indices = #map}, {transform_indices = #map1}, {transform_indices = #map1}, {transform_indices = #map2}]} {
    %mul3A = arith.constant 2 : i32
    %mul3A_0 = arith.muli %arg1, %mul3A : i32
    %add3A = arith.addi %mul3A_0, %arg0 : i32
    %lt3A = arith.constant 15 : i32
    %lt3A_1 = arith.cmpi slt, %arg1, %lt3A : i32
    %convert_element_type3A = arith.extui %lt3A_1 : i1 to i32
    %cond3A = arith.constant 0 : i32
    %cond3A_2 = arith.cmpi ne, %convert_element_type3A, %cond3A : i32
    scf.if %cond3A_2 {
      %mul3A_27 = arith.constant 3128 : i32
      %mul3A_28 = arith.muli %arg1, %mul3A_27 : i32
      %mul3A_29 = arith.constant 3128 : i32
      %mul3A_30 = arith.muli %arg1, %mul3A_29 : i32
      "tpu.region"() ({
        %run_scoped3A = tpu.sem_alloc : memref<!tpu.dma_semaphore, #tpu.memory_space<semaphore_mem>>
        %dma_start3A = arith.constant 0 : i32
        %dma_start3A_31 = tpu.memref_slice %arg8[%mul3A_30, %dma_start3A] : memref<50016x32xf32, #tpu.memory_space<vmem_shared>> -> memref<3128x32xf32, #tpu.memory_space<vmem_shared>>
        %dma_start3A_32 = arith.constant 0 : i32
        %dma_start3A_33 = tpu.memref_slice %arg3[%mul3A_28, %dma_start3A_32] : memref<50016x32xf32, #tpu.memory_space<hbm>> -> memref<3128x32xf32, #tpu.memory_space<hbm>>
        tpu.enqueue_dma source(%dma_start3A_33 : memref<3128x32xf32, #tpu.memory_space<hbm>>) target(%dma_start3A_31 : memref<3128x32xf32, #tpu.memory_space<vmem_shared>>) target_semaphore(%run_scoped3A : memref<!tpu.dma_semaphore, #tpu.memory_space<semaphore_mem>>)
        %dma_wait3A = arith.constant 0 : i32
        %dma_wait3A_34 = tpu.memref_slice %arg8[%mul3A_30, %dma_wait3A] : memref<50016x32xf32, #tpu.memory_space<vmem_shared>> -> memref<3128x32xf32, #tpu.memory_space<vmem_shared>>
        %dma_wait3A_35 = arith.constant 0 : i32
        %dma_wait3A_36 = tpu.memref_slice %arg3[%mul3A_28, %dma_wait3A_35] : memref<50016x32xf32, #tpu.memory_space<hbm>> -> memref<3128x32xf32, #tpu.memory_space<hbm>>
        tpu.wait_dma2 semaphore(%run_scoped3A : memref<!tpu.dma_semaphore, #tpu.memory_space<semaphore_mem>>) src(%dma_wait3A_36 : memref<3128x32xf32, #tpu.memory_space<hbm>>) dst(%dma_wait3A_34 : memref<3128x32xf32, #tpu.memory_space<vmem_shared>>)
        tpu.yield
      }) : () -> ()
    } else {
    }
    %eq3A = arith.constant 15 : i32
    %eq3A_3 = arith.cmpi eq, %arg1, %eq3A : i32
    %convert_element_type3A_4 = arith.extui %eq3A_3 : i1 to i32
    %cond3A_5 = arith.constant 0 : i32
    %cond3A_6 = arith.cmpi ne, %convert_element_type3A_4, %cond3A_5 : i32
    scf.if %cond3A_6 {
      "tpu.region"() ({
        %run_scoped3A = tpu.sem_alloc : memref<!tpu.dma_semaphore, #tpu.memory_space<semaphore_mem>>
        %dma_start3A = arith.constant 46920 : i32
        %dma_start3A_27 = arith.constant 0 : i32
        %dma_start3A_28 = tpu.memref_slice %arg8[%dma_start3A, %dma_start3A_27] : memref<50016x32xf32, #tpu.memory_space<vmem_shared>> -> memref<3096x32xf32, #tpu.memory_space<vmem_shared>>
        %dma_start3A_29 = arith.constant 46920 : i32
        %dma_start3A_30 = arith.constant 0 : i32
        %dma_start3A_31 = tpu.memref_slice %arg3[%dma_start3A_29, %dma_start3A_30] : memref<50016x32xf32, #tpu.memory_space<hbm>> -> memref<3096x32xf32, #tpu.memory_space<hbm>>
        tpu.enqueue_dma source(%dma_start3A_31 : memref<3096x32xf32, #tpu.memory_space<hbm>>) target(%dma_start3A_28 : memref<3096x32xf32, #tpu.memory_space<vmem_shared>>) target_semaphore(%run_scoped3A : memref<!tpu.dma_semaphore, #tpu.memory_space<semaphore_mem>>)
        %dma_wait3A = arith.constant 46920 : i32
        %dma_wait3A_32 = arith.constant 0 : i32
        %dma_wait3A_33 = tpu.memref_slice %arg8[%dma_wait3A, %dma_wait3A_32] : memref<50016x32xf32, #tpu.memory_space<vmem_shared>> -> memref<3096x32xf32, #tpu.memory_space<vmem_shared>>
        %dma_wait3A_34 = arith.constant 46920 : i32
        %dma_wait3A_35 = arith.constant 0 : i32
        %dma_wait3A_36 = tpu.memref_slice %arg3[%dma_wait3A_34, %dma_wait3A_35] : memref<50016x32xf32, #tpu.memory_space<hbm>> -> memref<3096x32xf32, #tpu.memory_space<hbm>>
        tpu.wait_dma2 semaphore(%run_scoped3A : memref<!tpu.dma_semaphore, #tpu.memory_space<semaphore_mem>>) src(%dma_wait3A_36 : memref<3096x32xf32, #tpu.memory_space<hbm>>) dst(%dma_wait3A_33 : memref<3096x32xf32, #tpu.memory_space<vmem_shared>>)
        tpu.yield
      }) : () -> ()
    } else {
    }
    "tpu.region"() ({
      %run_scoped3A = tpu.sem_alloc : memref<!tpu.dma_semaphore, #tpu.memory_space<semaphore_mem>>
      tpu.enqueue_dma source(%arg4 : memref<128x32xf32, #tpu.memory_space<hbm>>) target(%arg7 : memref<128x32xf32, #tpu.memory_space<vmem>>) target_semaphore(%run_scoped3A : memref<!tpu.dma_semaphore, #tpu.memory_space<semaphore_mem>>)
      tpu.wait_dma2 semaphore(%run_scoped3A : memref<!tpu.dma_semaphore, #tpu.memory_space<semaphore_mem>>) src(%arg4 : memref<128x32xf32, #tpu.memory_space<hbm>>) dst(%arg7 : memref<128x32xf32, #tpu.memory_space<vmem>>)
      tpu.yield
    }) : () -> ()
    %barrier3A = arith.constant 0 : index
    tpu.barrier barrier_id(%barrier3A)
    %scan3A = arith.constant 0 : i32
    %scan3A_7 = arith.constant 198 : i32
    %scan3A_8 = arith.addi %scan3A, %scan3A_7 : i32
    %scan3A_9 = arith.constant 1 : i32
    scf.for %scan3A_27 = %scan3A to %scan3A_8 step %scan3A_9  : i32 {
      %mul3A_28 = arith.constant 1 : i32
      %mul3A_29 = arith.muli %scan3A_27, %mul3A_28 : i32
      %add3A_30 = arith.constant 0 : i32
      %add3A_31 = arith.addi %add3A_30, %mul3A_29 : i32
      %lt3A_32 = arith.constant 196 : i32
      %lt3A_33 = arith.cmpi slt, %add3A_31, %lt3A_32 : i32
      %convert_element_type3A_34 = arith.extui %lt3A_33 : i1 to i32
      %cond3A_35 = arith.constant 0 : i32
      %cond3A_36 = arith.cmpi ne, %convert_element_type3A_34, %cond3A_35 : i32
      scf.if %cond3A_36 {
        %rem3A = arith.constant 7 : i32
        %rem3A_41 = arith.remsi %add3A_31, %rem3A : i32
        %ge3A_42 = arith.constant 7 : i32
        %ge3A_43 = arith.cmpi sge, %add3A_31, %ge3A_42 : i32
        %convert_element_type3A_44 = arith.extui %ge3A_43 : i1 to i32
        %cond3A_45 = arith.constant 0 : i32
        %cond3A_46 = arith.cmpi ne, %convert_element_type3A_44, %cond3A_45 : i32
        scf.if %cond3A_46 {
          %dma_wait3A = arith.constant 1 : i32
          %dma_wait3A_64 = arith.constant 0 : i32
          %dma_wait3A_65 = tpu.memref_slice %arg6[%rem3A_41, %dma_wait3A, %dma_wait3A_64] : memref<7x2x128xi32, #tpu.memory_space<vmem>> -> memref<1x1x128xi32, #tpu.memory_space<vmem>>
          %dma_wait3A_66 = tpu.memref_squeeze %dma_wait3A_65 : memref<1x1x128xi32, #tpu.memory_space<vmem>> -> memref<128xi32, #tpu.memory_space<vmem>>
          %dma_wait3A_67 = arith.constant 0 : i32
          %dma_wait3A_68 = arith.constant 0 : i32
          %dma_wait3A_69 = tpu.memref_slice %arg8[%dma_wait3A_67, %dma_wait3A_68] : memref<50016x32xf32, #tpu.memory_space<vmem_shared>> -> memref<50016x32xf32, #tpu.memory_space<vmem_shared>>
          %dma_wait3A_70 = tpu.memref_slice %arg10[%rem3A_41] : memref<7x!tpu.dma_semaphore, #tpu.memory_space<semaphore_mem>> -> memref<1x!tpu.dma_semaphore, #tpu.memory_space<semaphore_mem>>
          %dma_wait3A_71 = tpu.memref_squeeze %dma_wait3A_70 : memref<1x!tpu.dma_semaphore, #tpu.memory_space<semaphore_mem>> -> memref<!tpu.dma_semaphore, #tpu.memory_space<semaphore_mem>>
          tpu.wait_indirect_dma semaphore(%dma_wait3A_71 : memref<!tpu.dma_semaphore, #tpu.memory_space<semaphore_mem>>) src(%arg7 : memref<128x32xf32, #tpu.memory_space<vmem>>) dst(%dma_wait3A_69 : memref<50016x32xf32, #tpu.memory_space<vmem_shared>>)
        } else {
        }
        %dma_start3A = arith.constant 0 : i32
        %dma_start3A_47 = arith.constant 0 : i32
        %dma_start3A_48 = tpu.memref_slice %arg6[%rem3A_41, %dma_start3A, %dma_start3A_47] : memref<7x2x128xi32, #tpu.memory_space<vmem>> -> memref<1x2x128xi32, #tpu.memory_space<vmem>>
        %dma_start3A_49 = tpu.memref_squeeze %dma_start3A_48 : memref<1x2x128xi32, #tpu.memory_space<vmem>> -> memref<2x128xi32, #tpu.memory_space<vmem>>
        %dma_start3A_50 = arith.constant 0 : i32
        %dma_start3A_51 = arith.constant 0 : i32
        %dma_start3A_52 = tpu.memref_slice %arg2[%dma_start3A_50, %add3A, %add3A_31, %dma_start3A_51] : memref<2x32x196x128xi32, #tpu.memory_space<hbm>> -> memref<2x1x1x128xi32, #tpu.memory_space<hbm>>
        %dma_start3A_53 = tpu.memref_squeeze %dma_start3A_52 : memref<2x1x1x128xi32, #tpu.memory_space<hbm>> -> memref<2x128xi32, #tpu.memory_space<hbm>>
        %dma_start3A_54 = tpu.memref_slice %arg9[%rem3A_41] : memref<7x!tpu.dma_semaphore, #tpu.memory_space<semaphore_mem>> -> memref<1x!tpu.dma_semaphore, #tpu.memory_space<semaphore_mem>>
        %dma_start3A_55 = tpu.memref_squeeze %dma_start3A_54 : memref<1x!tpu.dma_semaphore, #tpu.memory_space<semaphore_mem>> -> memref<!tpu.dma_semaphore, #tpu.memory_space<semaphore_mem>>
        %dma_start3A_56 = arith.constant 0 : i32
        %dma_start3A_57 = arith.constant 0 : i32
        %dma_start3A_58 = tpu.memref_slice %arg6[%rem3A_41, %dma_start3A_56, %dma_start3A_57] : memref<7x2x128xi32, #tpu.memory_space<vmem>> -> memref<1x2x128xi32, #tpu.memory_space<vmem>>
        %dma_start3A_59 = tpu.memref_squeeze %dma_start3A_58 : memref<1x2x128xi32, #tpu.memory_space<vmem>> -> memref<2x128xi32, #tpu.memory_space<vmem>>
        %dma_start3A_60 = arith.constant 0 : i32
        %dma_start3A_61 = arith.constant 0 : i32
        %dma_start3A_62 = tpu.memref_slice %arg2[%dma_start3A_60, %add3A, %add3A_31, %dma_start3A_61] : memref<2x32x196x128xi32, #tpu.memory_space<hbm>> -> memref<2x1x1x128xi32, #tpu.memory_space<hbm>>
        %dma_start3A_63 = tpu.memref_squeeze %dma_start3A_62 : memref<2x1x1x128xi32, #tpu.memory_space<hbm>> -> memref<2x128xi32, #tpu.memory_space<hbm>>
        tpu.enqueue_dma source(%dma_start3A_63 : memref<2x128xi32, #tpu.memory_space<hbm>>) target(%dma_start3A_59 : memref<2x128xi32, #tpu.memory_space<vmem>>) target_semaphore(%dma_start3A_55 : memref<!tpu.dma_semaphore, #tpu.memory_space<semaphore_mem>>)
      } else {
      }
      %ge3A = arith.constant 2 : i32
      %ge3A_37 = arith.cmpi sge, %add3A_31, %ge3A : i32
      %convert_element_type3A_38 = arith.extui %ge3A_37 : i1 to i32
      %cond3A_39 = arith.constant 0 : i32
      %cond3A_40 = arith.cmpi ne, %convert_element_type3A_38, %cond3A_39 : i32
      scf.if %cond3A_40 {
        %sub3A = arith.constant 2 : i32
        %sub3A_41 = arith.subi %add3A_31, %sub3A : i32
        %rem3A = arith.constant 7 : i32
        %rem3A_42 = arith.remsi %sub3A_41, %rem3A : i32
        %dma_wait3A = arith.constant 0 : i32
        %dma_wait3A_43 = arith.constant 0 : i32
        %dma_wait3A_44 = arith.constant 0 : i32
        %dma_wait3A_45 = tpu.memref_slice %arg6[%rem3A_42, %dma_wait3A_43, %dma_wait3A_44] : memref<7x2x128xi32, #tpu.memory_space<vmem>> -> memref<1x2x128xi32, #tpu.memory_space<vmem>>
        %dma_wait3A_46 = tpu.memref_squeeze %dma_wait3A_45 : memref<1x2x128xi32, #tpu.memory_space<vmem>> -> memref<2x128xi32, #tpu.memory_space<vmem>>
        %dma_wait3A_47 = arith.constant 0 : i32
        %dma_wait3A_48 = arith.constant 0 : i32
        %dma_wait3A_49 = tpu.memref_slice %arg2[%dma_wait3A_47, %add3A, %dma_wait3A, %dma_wait3A_48] : memref<2x32x196x128xi32, #tpu.memory_space<hbm>> -> memref<2x1x1x128xi32, #tpu.memory_space<hbm>>
        %dma_wait3A_50 = tpu.memref_squeeze %dma_wait3A_49 : memref<2x1x1x128xi32, #tpu.memory_space<hbm>> -> memref<2x128xi32, #tpu.memory_space<hbm>>
        %dma_wait3A_51 = tpu.memref_slice %arg9[%rem3A_42] : memref<7x!tpu.dma_semaphore, #tpu.memory_space<semaphore_mem>> -> memref<1x!tpu.dma_semaphore, #tpu.memory_space<semaphore_mem>>
        %dma_wait3A_52 = tpu.memref_squeeze %dma_wait3A_51 : memref<1x!tpu.dma_semaphore, #tpu.memory_space<semaphore_mem>> -> memref<!tpu.dma_semaphore, #tpu.memory_space<semaphore_mem>>
        %dma_wait3A_53 = arith.constant 0 : i32
        %dma_wait3A_54 = arith.constant 0 : i32
        %dma_wait3A_55 = tpu.memref_slice %arg6[%rem3A_42, %dma_wait3A_53, %dma_wait3A_54] : memref<7x2x128xi32, #tpu.memory_space<vmem>> -> memref<1x2x128xi32, #tpu.memory_space<vmem>>
        %dma_wait3A_56 = tpu.memref_squeeze %dma_wait3A_55 : memref<1x2x128xi32, #tpu.memory_space<vmem>> -> memref<2x128xi32, #tpu.memory_space<vmem>>
        %dma_wait3A_57 = arith.constant 0 : i32
        %dma_wait3A_58 = arith.constant 0 : i32
        %dma_wait3A_59 = tpu.memref_slice %arg2[%dma_wait3A_57, %add3A, %dma_wait3A, %dma_wait3A_58] : memref<2x32x196x128xi32, #tpu.memory_space<hbm>> -> memref<2x1x1x128xi32, #tpu.memory_space<hbm>>
        %dma_wait3A_60 = tpu.memref_squeeze %dma_wait3A_59 : memref<2x1x1x128xi32, #tpu.memory_space<hbm>> -> memref<2x128xi32, #tpu.memory_space<hbm>>
        tpu.wait_dma2 semaphore(%dma_wait3A_52 : memref<!tpu.dma_semaphore, #tpu.memory_space<semaphore_mem>>) src(%dma_wait3A_60 : memref<2x128xi32, #tpu.memory_space<hbm>>) dst(%dma_wait3A_56 : memref<2x128xi32, #tpu.memory_space<vmem>>)
        %dma_start3A = arith.constant 1 : i32
        %dma_start3A_61 = arith.constant 0 : i32
        %dma_start3A_62 = tpu.memref_slice %arg6[%rem3A_42, %dma_start3A, %dma_start3A_61] : memref<7x2x128xi32, #tpu.memory_space<vmem>> -> memref<1x1x128xi32, #tpu.memory_space<vmem>>
        %dma_start3A_63 = tpu.memref_squeeze %dma_start3A_62 : memref<1x1x128xi32, #tpu.memory_space<vmem>> -> memref<128xi32, #tpu.memory_space<vmem>>
        %dma_start3A_64 = arith.constant 0 : i32
        %dma_start3A_65 = arith.constant 0 : i32
        %dma_start3A_66 = tpu.memref_slice %arg8[%dma_start3A_64, %dma_start3A_65] : memref<50016x32xf32, #tpu.memory_space<vmem_shared>> -> memref<50016x32xf32, #tpu.memory_space<vmem_shared>>
        %dma_start3A_67 = tpu.memref_slice %arg10[%rem3A_42] : memref<7x!tpu.dma_semaphore, #tpu.memory_space<semaphore_mem>> -> memref<1x!tpu.dma_semaphore, #tpu.memory_space<semaphore_mem>>
        %dma_start3A_68 = tpu.memref_squeeze %dma_start3A_67 : memref<1x!tpu.dma_semaphore, #tpu.memory_space<semaphore_mem>> -> memref<!tpu.dma_semaphore, #tpu.memory_space<semaphore_mem>>
        tpu.enqueue_indirect_dma source(%arg7 : memref<128x32xf32, #tpu.memory_space<vmem>>) target(%dma_start3A_66 : memref<50016x32xf32, #tpu.memory_space<vmem_shared>>) offsets(%dma_start3A_63 : memref<128xi32, #tpu.memory_space<vmem>>) semaphore(%dma_start3A_68 : memref<!tpu.dma_semaphore, #tpu.memory_space<semaphore_mem>>) {add = true}
      } else {
      }
    }
    %scan3A_10 = arith.constant 198 : i32
    %scan3A_11 = arith.constant 0 : i32
    %scan3A_12 = arith.constant 7 : i32
    %scan3A_13 = arith.addi %scan3A_11, %scan3A_12 : i32
    %scan3A_14 = arith.constant 1 : i32
    scf.for %scan3A_27 = %scan3A_11 to %scan3A_13 step %scan3A_14  : i32 {
      %mul3A_28 = arith.constant 1 : i32
      %mul3A_29 = arith.muli %scan3A_27, %mul3A_28 : i32
      %add3A_30 = arith.constant 0 : i32
      %add3A_31 = arith.addi %add3A_30, %mul3A_29 : i32
      %dma_wait3A = arith.constant 1 : i32
      %dma_wait3A_32 = arith.constant 0 : i32
      %dma_wait3A_33 = tpu.memref_slice %arg6[%add3A_31, %dma_wait3A, %dma_wait3A_32] : memref<7x2x128xi32, #tpu.memory_space<vmem>> -> memref<1x1x128xi32, #tpu.memory_space<vmem>>
      %dma_wait3A_34 = tpu.memref_squeeze %dma_wait3A_33 : memref<1x1x128xi32, #tpu.memory_space<vmem>> -> memref<128xi32, #tpu.memory_space<vmem>>
      %dma_wait3A_35 = arith.constant 0 : i32
      %dma_wait3A_36 = arith.constant 0 : i32
      %dma_wait3A_37 = tpu.memref_slice %arg8[%dma_wait3A_35, %dma_wait3A_36] : memref<50016x32xf32, #tpu.memory_space<vmem_shared>> -> memref<50016x32xf32, #tpu.memory_space<vmem_shared>>
      %dma_wait3A_38 = tpu.memref_slice %arg10[%add3A_31] : memref<7x!tpu.dma_semaphore, #tpu.memory_space<semaphore_mem>> -> memref<1x!tpu.dma_semaphore, #tpu.memory_space<semaphore_mem>>
      %dma_wait3A_39 = tpu.memref_squeeze %dma_wait3A_38 : memref<1x!tpu.dma_semaphore, #tpu.memory_space<semaphore_mem>> -> memref<!tpu.dma_semaphore, #tpu.memory_space<semaphore_mem>>
      tpu.wait_indirect_dma semaphore(%dma_wait3A_39 : memref<!tpu.dma_semaphore, #tpu.memory_space<semaphore_mem>>) src(%arg7 : memref<128x32xf32, #tpu.memory_space<vmem>>) dst(%dma_wait3A_37 : memref<50016x32xf32, #tpu.memory_space<vmem_shared>>)
    }
    %scan3A_15 = arith.constant 7 : i32
    %barrier3A_16 = arith.constant 0 : index
    tpu.barrier barrier_id(%barrier3A_16)
    %lt3A_17 = arith.constant 15 : i32
    %lt3A_18 = arith.cmpi slt, %arg1, %lt3A_17 : i32
    %convert_element_type3A_19 = arith.extui %lt3A_18 : i1 to i32
    %cond3A_20 = arith.constant 0 : i32
    %cond3A_21 = arith.cmpi ne, %convert_element_type3A_19, %cond3A_20 : i32
    scf.if %cond3A_21 {
      %mul3A_27 = arith.constant 3128 : i32
      %mul3A_28 = arith.muli %arg1, %mul3A_27 : i32
      %mul3A_29 = arith.constant 3128 : i32
      %mul3A_30 = arith.muli %arg1, %mul3A_29 : i32
      "tpu.region"() ({
        %run_scoped3A = tpu.sem_alloc : memref<!tpu.dma_semaphore, #tpu.memory_space<semaphore_mem>>
        %dma_start3A = arith.constant 0 : i32
        %dma_start3A_31 = tpu.memref_slice %arg5[%arg0, %mul3A_30, %dma_start3A] : memref<2x50016x32xf32, #tpu.memory_space<hbm>> -> memref<1x3128x32xf32, #tpu.memory_space<hbm>>
        %dma_start3A_32 = tpu.memref_squeeze %dma_start3A_31 : memref<1x3128x32xf32, #tpu.memory_space<hbm>> -> memref<3128x32xf32, #tpu.memory_space<hbm>>
        %dma_start3A_33 = arith.constant 0 : i32
        %dma_start3A_34 = tpu.memref_slice %arg8[%mul3A_28, %dma_start3A_33] : memref<50016x32xf32, #tpu.memory_space<vmem_shared>> -> memref<3128x32xf32, #tpu.memory_space<vmem_shared>>
        tpu.enqueue_dma source(%dma_start3A_34 : memref<3128x32xf32, #tpu.memory_space<vmem_shared>>) target(%dma_start3A_32 : memref<3128x32xf32, #tpu.memory_space<hbm>>) target_semaphore(%run_scoped3A : memref<!tpu.dma_semaphore, #tpu.memory_space<semaphore_mem>>)
        %dma_wait3A = arith.constant 0 : i32
        %dma_wait3A_35 = tpu.memref_slice %arg5[%arg0, %mul3A_30, %dma_wait3A] : memref<2x50016x32xf32, #tpu.memory_space<hbm>> -> memref<1x3128x32xf32, #tpu.memory_space<hbm>>
        %dma_wait3A_36 = tpu.memref_squeeze %dma_wait3A_35 : memref<1x3128x32xf32, #tpu.memory_space<hbm>> -> memref<3128x32xf32, #tpu.memory_space<hbm>>
        %dma_wait3A_37 = arith.constant 0 : i32
        %dma_wait3A_38 = tpu.memref_slice %arg8[%mul3A_28, %dma_wait3A_37] : memref<50016x32xf32, #tpu.memory_space<vmem_shared>> -> memref<3128x32xf32, #tpu.memory_space<vmem_shared>>
        tpu.wait_dma2 semaphore(%run_scoped3A : memref<!tpu.dma_semaphore, #tpu.memory_space<semaphore_mem>>) src(%dma_wait3A_38 : memref<3128x32xf32, #tpu.memory_space<vmem_shared>>) dst(%dma_wait3A_36 : memref<3128x32xf32, #tpu.memory_space<hbm>>)
        tpu.yield
      }) : () -> ()
    } else {
    }
    %eq3A_22 = arith.constant 15 : i32
    %eq3A_23 = arith.cmpi eq, %arg1, %eq3A_22 : i32
    %convert_element_type3A_24 = arith.extui %eq3A_23 : i1 to i32
    %cond3A_25 = arith.constant 0 : i32
    %cond3A_26 = arith.cmpi ne, %convert_element_type3A_24, %cond3A_25 : i32
    scf.if %cond3A_26 {
      "tpu.region"() ({
        %run_scoped3A = tpu.sem_alloc : memref<!tpu.dma_semaphore, #tpu.memory_space<semaphore_mem>>
        %dma_start3A = arith.constant 46920 : i32
        %dma_start3A_27 = arith.constant 0 : i32
        %dma_start3A_28 = tpu.memref_slice %arg5[%arg0, %dma_start3A, %dma_start3A_27] : memref<2x50016x32xf32, #tpu.memory_space<hbm>> -> memref<1x3096x32xf32, #tpu.memory_space<hbm>>
        %dma_start3A_29 = tpu.memref_squeeze %dma_start3A_28 : memref<1x3096x32xf32, #tpu.memory_space<hbm>> -> memref<3096x32xf32, #tpu.memory_space<hbm>>
        %dma_start3A_30 = arith.constant 46920 : i32
        %dma_start3A_31 = arith.constant 0 : i32
        %dma_start3A_32 = tpu.memref_slice %arg8[%dma_start3A_30, %dma_start3A_31] : memref<50016x32xf32, #tpu.memory_space<vmem_shared>> -> memref<3096x32xf32, #tpu.memory_space<vmem_shared>>
        tpu.enqueue_dma source(%dma_start3A_32 : memref<3096x32xf32, #tpu.memory_space<vmem_shared>>) target(%dma_start3A_29 : memref<3096x32xf32, #tpu.memory_space<hbm>>) target_semaphore(%run_scoped3A : memref<!tpu.dma_semaphore, #tpu.memory_space<semaphore_mem>>)
        %dma_wait3A = arith.constant 46920 : i32
        %dma_wait3A_33 = arith.constant 0 : i32
        %dma_wait3A_34 = tpu.memref_slice %arg5[%arg0, %dma_wait3A, %dma_wait3A_33] : memref<2x50016x32xf32, #tpu.memory_space<hbm>> -> memref<1x3096x32xf32, #tpu.memory_space<hbm>>
        %dma_wait3A_35 = tpu.memref_squeeze %dma_wait3A_34 : memref<1x3096x32xf32, #tpu.memory_space<hbm>> -> memref<3096x32xf32, #tpu.memory_space<hbm>>
        %dma_wait3A_36 = arith.constant 46920 : i32
        %dma_wait3A_37 = arith.constant 0 : i32
        %dma_wait3A_38 = tpu.memref_slice %arg8[%dma_wait3A_36, %dma_wait3A_37] : memref<50016x32xf32, #tpu.memory_space<vmem_shared>> -> memref<3096x32xf32, #tpu.memory_space<vmem_shared>>
        tpu.wait_dma2 semaphore(%run_scoped3A : memref<!tpu.dma_semaphore, #tpu.memory_space<semaphore_mem>>) src(%dma_wait3A_38 : memref<3096x32xf32, #tpu.memory_space<vmem_shared>>) dst(%dma_wait3A_35 : memref<3096x32xf32, #tpu.memory_space<hbm>>)
        tpu.yield
      }) : () -> ()
    } else {
    }
    return
  }
}

#map = affine_map<(d0, d1) -> (0, 0)>
#map1 = affine_map<(d0, d1) -> (0, 0, 0, 0)>
#map2 = affine_map<(d0, d1) -> (0, 0, 0)>
module attributes {stable_mosaic.version = 14 : i64} {
  func.func @k(%arg0: i32, %arg1: i32, %arg2: memref<50016x32xf32, #tpu.memory_space<hbm>>, %arg3: memref<2x32x196x128xi32, #tpu.memory_space<hbm>>, %arg4: memref<50016x32xf32, #tpu.memory_space<hbm>>, %arg5: memref<2x50016x32xf32, #tpu.memory_space<hbm>>, %arg6: memref<7x2x128xi32, #tpu.memory_space<vmem>>, %arg7: memref<7x128x32xf32, #tpu.memory_space<vmem>>, %arg8: memref<50016x32xf32, #tpu.memory_space<vmem_shared>>, %arg9: memref<7x!tpu.dma_semaphore, #tpu.memory_space<semaphore_mem>>, %arg10: memref<7x!tpu.dma_semaphore, #tpu.memory_space<semaphore_mem>>, %arg11: memref<7x!tpu.dma_semaphore, #tpu.memory_space<semaphore_mem>>) attributes {dimension_semantics = [#tpu.dimension_semantics<core_parallel>, #tpu.dimension_semantics<subcore_parallel>], iteration_bounds = array<i64: 2, 16>, scalar_prefetch = 0 : i64, scratch_operands = 6 : i64, tpu.core_type = #tpu.core_type<sc_vector_subcore>, window_params = [{transform_indices = #map}, {transform_indices = #map1}, {transform_indices = #map}, {transform_indices = #map2}]} {
    %mul3A = arith.constant 2 : i32
    %mul3A_0 = arith.muli %arg1, %mul3A : i32
    %add3A = arith.addi %mul3A_0, %arg0 : i32
    %lt3A = arith.constant 15 : i32
    %lt3A_1 = arith.cmpi slt, %arg1, %lt3A : i32
    %convert_element_type3A = arith.extui %lt3A_1 : i1 to i32
    %cond3A = arith.constant 0 : i32
    %cond3A_2 = arith.cmpi ne, %convert_element_type3A, %cond3A : i32
    scf.if %cond3A_2 {
      %mul3A_27 = arith.constant 3128 : i32
      %mul3A_28 = arith.muli %arg1, %mul3A_27 : i32
      %mul3A_29 = arith.constant 3128 : i32
      %mul3A_30 = arith.muli %arg1, %mul3A_29 : i32
      "tpu.region"() ({
        %run_scoped3A = tpu.sem_alloc : memref<!tpu.dma_semaphore, #tpu.memory_space<semaphore_mem>>
        %dma_start3A = arith.constant 0 : i32
        %dma_start3A_31 = tpu.memref_slice %arg8[%mul3A_30, %dma_start3A] : memref<50016x32xf32, #tpu.memory_space<vmem_shared>> -> memref<3128x32xf32, #tpu.memory_space<vmem_shared>>
        %dma_start3A_32 = arith.constant 0 : i32
        %dma_start3A_33 = tpu.memref_slice %arg4[%mul3A_28, %dma_start3A_32] : memref<50016x32xf32, #tpu.memory_space<hbm>> -> memref<3128x32xf32, #tpu.memory_space<hbm>>
        tpu.enqueue_dma source(%dma_start3A_33 : memref<3128x32xf32, #tpu.memory_space<hbm>>) target(%dma_start3A_31 : memref<3128x32xf32, #tpu.memory_space<vmem_shared>>) target_semaphore(%run_scoped3A : memref<!tpu.dma_semaphore, #tpu.memory_space<semaphore_mem>>)
        %dma_wait3A = arith.constant 0 : i32
        %dma_wait3A_34 = tpu.memref_slice %arg8[%mul3A_30, %dma_wait3A] : memref<50016x32xf32, #tpu.memory_space<vmem_shared>> -> memref<3128x32xf32, #tpu.memory_space<vmem_shared>>
        %dma_wait3A_35 = arith.constant 0 : i32
        %dma_wait3A_36 = tpu.memref_slice %arg4[%mul3A_28, %dma_wait3A_35] : memref<50016x32xf32, #tpu.memory_space<hbm>> -> memref<3128x32xf32, #tpu.memory_space<hbm>>
        tpu.wait_dma2 semaphore(%run_scoped3A : memref<!tpu.dma_semaphore, #tpu.memory_space<semaphore_mem>>) src(%dma_wait3A_36 : memref<3128x32xf32, #tpu.memory_space<hbm>>) dst(%dma_wait3A_34 : memref<3128x32xf32, #tpu.memory_space<vmem_shared>>)
        tpu.yield
      }) : () -> ()
    } else {
    }
    %eq3A = arith.constant 15 : i32
    %eq3A_3 = arith.cmpi eq, %arg1, %eq3A : i32
    %convert_element_type3A_4 = arith.extui %eq3A_3 : i1 to i32
    %cond3A_5 = arith.constant 0 : i32
    %cond3A_6 = arith.cmpi ne, %convert_element_type3A_4, %cond3A_5 : i32
    scf.if %cond3A_6 {
      "tpu.region"() ({
        %run_scoped3A = tpu.sem_alloc : memref<!tpu.dma_semaphore, #tpu.memory_space<semaphore_mem>>
        %dma_start3A = arith.constant 46920 : i32
        %dma_start3A_27 = arith.constant 0 : i32
        %dma_start3A_28 = tpu.memref_slice %arg8[%dma_start3A, %dma_start3A_27] : memref<50016x32xf32, #tpu.memory_space<vmem_shared>> -> memref<3096x32xf32, #tpu.memory_space<vmem_shared>>
        %dma_start3A_29 = arith.constant 46920 : i32
        %dma_start3A_30 = arith.constant 0 : i32
        %dma_start3A_31 = tpu.memref_slice %arg4[%dma_start3A_29, %dma_start3A_30] : memref<50016x32xf32, #tpu.memory_space<hbm>> -> memref<3096x32xf32, #tpu.memory_space<hbm>>
        tpu.enqueue_dma source(%dma_start3A_31 : memref<3096x32xf32, #tpu.memory_space<hbm>>) target(%dma_start3A_28 : memref<3096x32xf32, #tpu.memory_space<vmem_shared>>) target_semaphore(%run_scoped3A : memref<!tpu.dma_semaphore, #tpu.memory_space<semaphore_mem>>)
        %dma_wait3A = arith.constant 46920 : i32
        %dma_wait3A_32 = arith.constant 0 : i32
        %dma_wait3A_33 = tpu.memref_slice %arg8[%dma_wait3A, %dma_wait3A_32] : memref<50016x32xf32, #tpu.memory_space<vmem_shared>> -> memref<3096x32xf32, #tpu.memory_space<vmem_shared>>
        %dma_wait3A_34 = arith.constant 46920 : i32
        %dma_wait3A_35 = arith.constant 0 : i32
        %dma_wait3A_36 = tpu.memref_slice %arg4[%dma_wait3A_34, %dma_wait3A_35] : memref<50016x32xf32, #tpu.memory_space<hbm>> -> memref<3096x32xf32, #tpu.memory_space<hbm>>
        tpu.wait_dma2 semaphore(%run_scoped3A : memref<!tpu.dma_semaphore, #tpu.memory_space<semaphore_mem>>) src(%dma_wait3A_36 : memref<3096x32xf32, #tpu.memory_space<hbm>>) dst(%dma_wait3A_33 : memref<3096x32xf32, #tpu.memory_space<vmem_shared>>)
        tpu.yield
      }) : () -> ()
    } else {
    }
    %barrier3A = arith.constant 0 : index
    tpu.barrier barrier_id(%barrier3A)
    %scan3A = arith.constant 0 : i32
    %scan3A_7 = arith.constant 200 : i32
    %scan3A_8 = arith.addi %scan3A, %scan3A_7 : i32
    %scan3A_9 = arith.constant 1 : i32
    scf.for %scan3A_27 = %scan3A to %scan3A_8 step %scan3A_9  : i32 {
      %mul3A_28 = arith.constant 1 : i32
      %mul3A_29 = arith.muli %scan3A_27, %mul3A_28 : i32
      %add3A_30 = arith.constant 0 : i32
      %add3A_31 = arith.addi %add3A_30, %mul3A_29 : i32
      %lt3A_32 = arith.constant 196 : i32
      %lt3A_33 = arith.cmpi slt, %add3A_31, %lt3A_32 : i32
      %convert_element_type3A_34 = arith.extui %lt3A_33 : i1 to i32
      %cond3A_35 = arith.constant 0 : i32
      %cond3A_36 = arith.cmpi ne, %convert_element_type3A_34, %cond3A_35 : i32
      scf.if %cond3A_36 {
        %rem3A = arith.constant 7 : i32
        %rem3A_48 = arith.remsi %add3A_31, %rem3A : i32
        %ge3A_49 = arith.constant 7 : i32
        %ge3A_50 = arith.cmpi sge, %add3A_31, %ge3A_49 : i32
        %convert_element_type3A_51 = arith.extui %ge3A_50 : i1 to i32
        %cond3A_52 = arith.constant 0 : i32
        %cond3A_53 = arith.cmpi ne, %convert_element_type3A_51, %cond3A_52 : i32
        scf.if %cond3A_53 {
          %dma_wait3A = arith.constant 1 : i32
          %dma_wait3A_71 = arith.constant 0 : i32
          %dma_wait3A_72 = arith.constant 0 : i32
          %dma_wait3A_73 = tpu.memref_slice %arg7[%rem3A_48, %dma_wait3A_71, %dma_wait3A_72] : memref<7x128x32xf32, #tpu.memory_space<vmem>> -> memref<1x128x32xf32, #tpu.memory_space<vmem>>
          %dma_wait3A_74 = tpu.memref_squeeze %dma_wait3A_73 : memref<1x128x32xf32, #tpu.memory_space<vmem>> -> memref<128x32xf32, #tpu.memory_space<vmem>>
          %dma_wait3A_75 = arith.constant 0 : i32
          %dma_wait3A_76 = tpu.memref_slice %arg6[%rem3A_48, %dma_wait3A, %dma_wait3A_75] : memref<7x2x128xi32, #tpu.memory_space<vmem>> -> memref<1x1x128xi32, #tpu.memory_space<vmem>>
          %dma_wait3A_77 = tpu.memref_squeeze %dma_wait3A_76 : memref<1x1x128xi32, #tpu.memory_space<vmem>> -> memref<128xi32, #tpu.memory_space<vmem>>
          %dma_wait3A_78 = arith.constant 0 : i32
          %dma_wait3A_79 = arith.constant 0 : i32
          %dma_wait3A_80 = tpu.memref_slice %arg8[%dma_wait3A_78, %dma_wait3A_79] : memref<50016x32xf32, #tpu.memory_space<vmem_shared>> -> memref<50016x32xf32, #tpu.memory_space<vmem_shared>>
          %dma_wait3A_81 = tpu.memref_slice %arg11[%rem3A_48] : memref<7x!tpu.dma_semaphore, #tpu.memory_space<semaphore_mem>> -> memref<1x!tpu.dma_semaphore, #tpu.memory_space<semaphore_mem>>
          %dma_wait3A_82 = tpu.memref_squeeze %dma_wait3A_81 : memref<1x!tpu.dma_semaphore, #tpu.memory_space<semaphore_mem>> -> memref<!tpu.dma_semaphore, #tpu.memory_space<semaphore_mem>>
          tpu.wait_indirect_dma semaphore(%dma_wait3A_82 : memref<!tpu.dma_semaphore, #tpu.memory_space<semaphore_mem>>) src(%dma_wait3A_74 : memref<128x32xf32, #tpu.memory_space<vmem>>) dst(%dma_wait3A_80 : memref<50016x32xf32, #tpu.memory_space<vmem_shared>>)
        } else {
        }
        %dma_start3A = arith.constant 0 : i32
        %dma_start3A_54 = arith.constant 0 : i32
        %dma_start3A_55 = tpu.memref_slice %arg6[%rem3A_48, %dma_start3A, %dma_start3A_54] : memref<7x2x128xi32, #tpu.memory_space<vmem>> -> memref<1x2x128xi32, #tpu.memory_space<vmem>>
        %dma_start3A_56 = tpu.memref_squeeze %dma_start3A_55 : memref<1x2x128xi32, #tpu.memory_space<vmem>> -> memref<2x128xi32, #tpu.memory_space<vmem>>
        %dma_start3A_57 = arith.constant 0 : i32
        %dma_start3A_58 = arith.constant 0 : i32
        %dma_start3A_59 = tpu.memref_slice %arg3[%dma_start3A_57, %add3A, %add3A_31, %dma_start3A_58] : memref<2x32x196x128xi32, #tpu.memory_space<hbm>> -> memref<2x1x1x128xi32, #tpu.memory_space<hbm>>
        %dma_start3A_60 = tpu.memref_squeeze %dma_start3A_59 : memref<2x1x1x128xi32, #tpu.memory_space<hbm>> -> memref<2x128xi32, #tpu.memory_space<hbm>>
        %dma_start3A_61 = tpu.memref_slice %arg9[%rem3A_48] : memref<7x!tpu.dma_semaphore, #tpu.memory_space<semaphore_mem>> -> memref<1x!tpu.dma_semaphore, #tpu.memory_space<semaphore_mem>>
        %dma_start3A_62 = tpu.memref_squeeze %dma_start3A_61 : memref<1x!tpu.dma_semaphore, #tpu.memory_space<semaphore_mem>> -> memref<!tpu.dma_semaphore, #tpu.memory_space<semaphore_mem>>
        %dma_start3A_63 = arith.constant 0 : i32
        %dma_start3A_64 = arith.constant 0 : i32
        %dma_start3A_65 = tpu.memref_slice %arg6[%rem3A_48, %dma_start3A_63, %dma_start3A_64] : memref<7x2x128xi32, #tpu.memory_space<vmem>> -> memref<1x2x128xi32, #tpu.memory_space<vmem>>
        %dma_start3A_66 = tpu.memref_squeeze %dma_start3A_65 : memref<1x2x128xi32, #tpu.memory_space<vmem>> -> memref<2x128xi32, #tpu.memory_space<vmem>>
        %dma_start3A_67 = arith.constant 0 : i32
        %dma_start3A_68 = arith.constant 0 : i32
        %dma_start3A_69 = tpu.memref_slice %arg3[%dma_start3A_67, %add3A, %add3A_31, %dma_start3A_68] : memref<2x32x196x128xi32, #tpu.memory_space<hbm>> -> memref<2x1x1x128xi32, #tpu.memory_space<hbm>>
        %dma_start3A_70 = tpu.memref_squeeze %dma_start3A_69 : memref<2x1x1x128xi32, #tpu.memory_space<hbm>> -> memref<2x128xi32, #tpu.memory_space<hbm>>
        tpu.enqueue_dma source(%dma_start3A_70 : memref<2x128xi32, #tpu.memory_space<hbm>>) target(%dma_start3A_66 : memref<2x128xi32, #tpu.memory_space<vmem>>) target_semaphore(%dma_start3A_62 : memref<!tpu.dma_semaphore, #tpu.memory_space<semaphore_mem>>)
      } else {
      }
      %ge3A = arith.constant 2 : i32
      %ge3A_37 = arith.cmpi sge, %add3A_31, %ge3A : i32
      %lt3A_38 = arith.constant 198 : i32
      %lt3A_39 = arith.cmpi slt, %add3A_31, %lt3A_38 : i32
      %and3A = arith.andi %ge3A_37, %lt3A_39 : i1
      %convert_element_type3A_40 = arith.extui %and3A : i1 to i32
      %cond3A_41 = arith.constant 0 : i32
      %cond3A_42 = arith.cmpi ne, %convert_element_type3A_40, %cond3A_41 : i32
      scf.if %cond3A_42 {
        %sub3A = arith.constant 2 : i32
        %sub3A_48 = arith.subi %add3A_31, %sub3A : i32
        %rem3A = arith.constant 7 : i32
        %rem3A_49 = arith.remsi %sub3A_48, %rem3A : i32
        %dma_wait3A = arith.constant 0 : i32
        %dma_wait3A_50 = arith.constant 0 : i32
        %dma_wait3A_51 = arith.constant 0 : i32
        %dma_wait3A_52 = tpu.memref_slice %arg6[%rem3A_49, %dma_wait3A_50, %dma_wait3A_51] : memref<7x2x128xi32, #tpu.memory_space<vmem>> -> memref<1x2x128xi32, #tpu.memory_space<vmem>>
        %dma_wait3A_53 = tpu.memref_squeeze %dma_wait3A_52 : memref<1x2x128xi32, #tpu.memory_space<vmem>> -> memref<2x128xi32, #tpu.memory_space<vmem>>
        %dma_wait3A_54 = arith.constant 0 : i32
        %dma_wait3A_55 = arith.constant 0 : i32
        %dma_wait3A_56 = tpu.memref_slice %arg3[%dma_wait3A_54, %add3A, %dma_wait3A, %dma_wait3A_55] : memref<2x32x196x128xi32, #tpu.memory_space<hbm>> -> memref<2x1x1x128xi32, #tpu.memory_space<hbm>>
        %dma_wait3A_57 = tpu.memref_squeeze %dma_wait3A_56 : memref<2x1x1x128xi32, #tpu.memory_space<hbm>> -> memref<2x128xi32, #tpu.memory_space<hbm>>
        %dma_wait3A_58 = tpu.memref_slice %arg9[%rem3A_49] : memref<7x!tpu.dma_semaphore, #tpu.memory_space<semaphore_mem>> -> memref<1x!tpu.dma_semaphore, #tpu.memory_space<semaphore_mem>>
        %dma_wait3A_59 = tpu.memref_squeeze %dma_wait3A_58 : memref<1x!tpu.dma_semaphore, #tpu.memory_space<semaphore_mem>> -> memref<!tpu.dma_semaphore, #tpu.memory_space<semaphore_mem>>
        %dma_wait3A_60 = arith.constant 0 : i32
        %dma_wait3A_61 = arith.constant 0 : i32
        %dma_wait3A_62 = tpu.memref_slice %arg6[%rem3A_49, %dma_wait3A_60, %dma_wait3A_61] : memref<7x2x128xi32, #tpu.memory_space<vmem>> -> memref<1x2x128xi32, #tpu.memory_space<vmem>>
        %dma_wait3A_63 = tpu.memref_squeeze %dma_wait3A_62 : memref<1x2x128xi32, #tpu.memory_space<vmem>> -> memref<2x128xi32, #tpu.memory_space<vmem>>
        %dma_wait3A_64 = arith.constant 0 : i32
        %dma_wait3A_65 = arith.constant 0 : i32
        %dma_wait3A_66 = tpu.memref_slice %arg3[%dma_wait3A_64, %add3A, %dma_wait3A, %dma_wait3A_65] : memref<2x32x196x128xi32, #tpu.memory_space<hbm>> -> memref<2x1x1x128xi32, #tpu.memory_space<hbm>>
        %dma_wait3A_67 = tpu.memref_squeeze %dma_wait3A_66 : memref<2x1x1x128xi32, #tpu.memory_space<hbm>> -> memref<2x128xi32, #tpu.memory_space<hbm>>
        tpu.wait_dma2 semaphore(%dma_wait3A_59 : memref<!tpu.dma_semaphore, #tpu.memory_space<semaphore_mem>>) src(%dma_wait3A_67 : memref<2x128xi32, #tpu.memory_space<hbm>>) dst(%dma_wait3A_63 : memref<2x128xi32, #tpu.memory_space<vmem>>)
        %dma_start3A = arith.constant 0 : i32
        %dma_start3A_68 = arith.constant 0 : i32
        %dma_start3A_69 = arith.constant 0 : i32
        %dma_start3A_70 = tpu.memref_slice %arg7[%rem3A_49, %dma_start3A_68, %dma_start3A_69] : memref<7x128x32xf32, #tpu.memory_space<vmem>> -> memref<1x128x32xf32, #tpu.memory_space<vmem>>
        %dma_start3A_71 = tpu.memref_squeeze %dma_start3A_70 : memref<1x128x32xf32, #tpu.memory_space<vmem>> -> memref<128x32xf32, #tpu.memory_space<vmem>>
        %dma_start3A_72 = arith.constant 0 : i32
        %dma_start3A_73 = tpu.memref_slice %arg6[%rem3A_49, %dma_start3A, %dma_start3A_72] : memref<7x2x128xi32, #tpu.memory_space<vmem>> -> memref<1x1x128xi32, #tpu.memory_space<vmem>>
        %dma_start3A_74 = tpu.memref_squeeze %dma_start3A_73 : memref<1x1x128xi32, #tpu.memory_space<vmem>> -> memref<128xi32, #tpu.memory_space<vmem>>
        %dma_start3A_75 = arith.constant 0 : i32
        %dma_start3A_76 = arith.constant 0 : i32
        %dma_start3A_77 = tpu.memref_slice %arg2[%dma_start3A_75, %dma_start3A_76] : memref<50016x32xf32, #tpu.memory_space<hbm>> -> memref<50016x32xf32, #tpu.memory_space<hbm>>
        %dma_start3A_78 = tpu.memref_slice %arg10[%rem3A_49] : memref<7x!tpu.dma_semaphore, #tpu.memory_space<semaphore_mem>> -> memref<1x!tpu.dma_semaphore, #tpu.memory_space<semaphore_mem>>
        %dma_start3A_79 = tpu.memref_squeeze %dma_start3A_78 : memref<1x!tpu.dma_semaphore, #tpu.memory_space<semaphore_mem>> -> memref<!tpu.dma_semaphore, #tpu.memory_space<semaphore_mem>>
        tpu.enqueue_indirect_dma source(%dma_start3A_77 : memref<50016x32xf32, #tpu.memory_space<hbm>>) target(%dma_start3A_71 : memref<128x32xf32, #tpu.memory_space<vmem>>) offsets(%dma_start3A_74 : memref<128xi32, #tpu.memory_space<vmem>>) semaphore(%dma_start3A_79 : memref<!tpu.dma_semaphore, #tpu.memory_space<semaphore_mem>>)
      } else {
      }
      %ge3A_43 = arith.constant 4 : i32
      %ge3A_44 = arith.cmpi sge, %add3A_31, %ge3A_43 : i32
      %convert_element_type3A_45 = arith.extui %ge3A_44 : i1 to i32
      %cond3A_46 = arith.constant 0 : i32
      %cond3A_47 = arith.cmpi ne, %convert_element_type3A_45, %cond3A_46 : i32
      scf.if %cond3A_47 {
        %sub3A = arith.constant 4 : i32
        %sub3A_48 = arith.subi %add3A_31, %sub3A : i32
        %rem3A = arith.constant 7 : i32
        %rem3A_49 = arith.remsi %sub3A_48, %rem3A : i32
        %dma_wait3A = arith.constant 0 : i32
        %dma_wait3A_50 = arith.constant 0 : i32
        %dma_wait3A_51 = arith.constant 0 : i32
        %dma_wait3A_52 = tpu.memref_slice %arg7[%rem3A_49, %dma_wait3A_50, %dma_wait3A_51] : memref<7x128x32xf32, #tpu.memory_space<vmem>> -> memref<1x128x32xf32, #tpu.memory_space<vmem>>
        %dma_wait3A_53 = tpu.memref_squeeze %dma_wait3A_52 : memref<1x128x32xf32, #tpu.memory_space<vmem>> -> memref<128x32xf32, #tpu.memory_space<vmem>>
        %dma_wait3A_54 = arith.constant 0 : i32
        %dma_wait3A_55 = tpu.memref_slice %arg6[%rem3A_49, %dma_wait3A, %dma_wait3A_54] : memref<7x2x128xi32, #tpu.memory_space<vmem>> -> memref<1x1x128xi32, #tpu.memory_space<vmem>>
        %dma_wait3A_56 = tpu.memref_squeeze %dma_wait3A_55 : memref<1x1x128xi32, #tpu.memory_space<vmem>> -> memref<128xi32, #tpu.memory_space<vmem>>
        %dma_wait3A_57 = arith.constant 0 : i32
        %dma_wait3A_58 = arith.constant 0 : i32
        %dma_wait3A_59 = tpu.memref_slice %arg2[%dma_wait3A_57, %dma_wait3A_58] : memref<50016x32xf32, #tpu.memory_space<hbm>> -> memref<50016x32xf32, #tpu.memory_space<hbm>>
        %dma_wait3A_60 = tpu.memref_slice %arg10[%rem3A_49] : memref<7x!tpu.dma_semaphore, #tpu.memory_space<semaphore_mem>> -> memref<1x!tpu.dma_semaphore, #tpu.memory_space<semaphore_mem>>
        %dma_wait3A_61 = tpu.memref_squeeze %dma_wait3A_60 : memref<1x!tpu.dma_semaphore, #tpu.memory_space<semaphore_mem>> -> memref<!tpu.dma_semaphore, #tpu.memory_space<semaphore_mem>>
        tpu.wait_indirect_dma semaphore(%dma_wait3A_61 : memref<!tpu.dma_semaphore, #tpu.memory_space<semaphore_mem>>) src(%dma_wait3A_59 : memref<50016x32xf32, #tpu.memory_space<hbm>>) dst(%dma_wait3A_53 : memref<128x32xf32, #tpu.memory_space<vmem>>)
        %dma_start3A = arith.constant 1 : i32
        %dma_start3A_62 = arith.constant 0 : i32
        %dma_start3A_63 = arith.constant 0 : i32
        %dma_start3A_64 = tpu.memref_slice %arg7[%rem3A_49, %dma_start3A_62, %dma_start3A_63] : memref<7x128x32xf32, #tpu.memory_space<vmem>> -> memref<1x128x32xf32, #tpu.memory_space<vmem>>
        %dma_start3A_65 = tpu.memref_squeeze %dma_start3A_64 : memref<1x128x32xf32, #tpu.memory_space<vmem>> -> memref<128x32xf32, #tpu.memory_space<vmem>>
        %dma_start3A_66 = arith.constant 0 : i32
        %dma_start3A_67 = tpu.memref_slice %arg6[%rem3A_49, %dma_start3A, %dma_start3A_66] : memref<7x2x128xi32, #tpu.memory_space<vmem>> -> memref<1x1x128xi32, #tpu.memory_space<vmem>>
        %dma_start3A_68 = tpu.memref_squeeze %dma_start3A_67 : memref<1x1x128xi32, #tpu.memory_space<vmem>> -> memref<128xi32, #tpu.memory_space<vmem>>
        %dma_start3A_69 = arith.constant 0 : i32
        %dma_start3A_70 = arith.constant 0 : i32
        %dma_start3A_71 = tpu.memref_slice %arg8[%dma_start3A_69, %dma_start3A_70] : memref<50016x32xf32, #tpu.memory_space<vmem_shared>> -> memref<50016x32xf32, #tpu.memory_space<vmem_shared>>
        %dma_start3A_72 = tpu.memref_slice %arg11[%rem3A_49] : memref<7x!tpu.dma_semaphore, #tpu.memory_space<semaphore_mem>> -> memref<1x!tpu.dma_semaphore, #tpu.memory_space<semaphore_mem>>
        %dma_start3A_73 = tpu.memref_squeeze %dma_start3A_72 : memref<1x!tpu.dma_semaphore, #tpu.memory_space<semaphore_mem>> -> memref<!tpu.dma_semaphore, #tpu.memory_space<semaphore_mem>>
        tpu.enqueue_indirect_dma source(%dma_start3A_65 : memref<128x32xf32, #tpu.memory_space<vmem>>) target(%dma_start3A_71 : memref<50016x32xf32, #tpu.memory_space<vmem_shared>>) offsets(%dma_start3A_68 : memref<128xi32, #tpu.memory_space<vmem>>) semaphore(%dma_start3A_73 : memref<!tpu.dma_semaphore, #tpu.memory_space<semaphore_mem>>) {add = true}
      } else {
      }
    }
    %scan3A_10 = arith.constant 200 : i32
    %scan3A_11 = arith.constant 0 : i32
    %scan3A_12 = arith.constant 7 : i32
    %scan3A_13 = arith.addi %scan3A_11, %scan3A_12 : i32
    %scan3A_14 = arith.constant 1 : i32
    scf.for %scan3A_27 = %scan3A_11 to %scan3A_13 step %scan3A_14  : i32 {
      %mul3A_28 = arith.constant 1 : i32
      %mul3A_29 = arith.muli %scan3A_27, %mul3A_28 : i32
      %add3A_30 = arith.constant 0 : i32
      %add3A_31 = arith.addi %add3A_30, %mul3A_29 : i32
      %dma_wait3A = arith.constant 1 : i32
      %dma_wait3A_32 = arith.constant 0 : i32
      %dma_wait3A_33 = arith.constant 0 : i32
      %dma_wait3A_34 = tpu.memref_slice %arg7[%add3A_31, %dma_wait3A_32, %dma_wait3A_33] : memref<7x128x32xf32, #tpu.memory_space<vmem>> -> memref<1x128x32xf32, #tpu.memory_space<vmem>>
      %dma_wait3A_35 = tpu.memref_squeeze %dma_wait3A_34 : memref<1x128x32xf32, #tpu.memory_space<vmem>> -> memref<128x32xf32, #tpu.memory_space<vmem>>
      %dma_wait3A_36 = arith.constant 0 : i32
      %dma_wait3A_37 = tpu.memref_slice %arg6[%add3A_31, %dma_wait3A, %dma_wait3A_36] : memref<7x2x128xi32, #tpu.memory_space<vmem>> -> memref<1x1x128xi32, #tpu.memory_space<vmem>>
      %dma_wait3A_38 = tpu.memref_squeeze %dma_wait3A_37 : memref<1x1x128xi32, #tpu.memory_space<vmem>> -> memref<128xi32, #tpu.memory_space<vmem>>
      %dma_wait3A_39 = arith.constant 0 : i32
      %dma_wait3A_40 = arith.constant 0 : i32
      %dma_wait3A_41 = tpu.memref_slice %arg8[%dma_wait3A_39, %dma_wait3A_40] : memref<50016x32xf32, #tpu.memory_space<vmem_shared>> -> memref<50016x32xf32, #tpu.memory_space<vmem_shared>>
      %dma_wait3A_42 = tpu.memref_slice %arg11[%add3A_31] : memref<7x!tpu.dma_semaphore, #tpu.memory_space<semaphore_mem>> -> memref<1x!tpu.dma_semaphore, #tpu.memory_space<semaphore_mem>>
      %dma_wait3A_43 = tpu.memref_squeeze %dma_wait3A_42 : memref<1x!tpu.dma_semaphore, #tpu.memory_space<semaphore_mem>> -> memref<!tpu.dma_semaphore, #tpu.memory_space<semaphore_mem>>
      tpu.wait_indirect_dma semaphore(%dma_wait3A_43 : memref<!tpu.dma_semaphore, #tpu.memory_space<semaphore_mem>>) src(%dma_wait3A_35 : memref<128x32xf32, #tpu.memory_space<vmem>>) dst(%dma_wait3A_41 : memref<50016x32xf32, #tpu.memory_space<vmem_shared>>)
    }
    %scan3A_15 = arith.constant 7 : i32
    %barrier3A_16 = arith.constant 0 : index
    tpu.barrier barrier_id(%barrier3A_16)
    %lt3A_17 = arith.constant 15 : i32
    %lt3A_18 = arith.cmpi slt, %arg1, %lt3A_17 : i32
    %convert_element_type3A_19 = arith.extui %lt3A_18 : i1 to i32
    %cond3A_20 = arith.constant 0 : i32
    %cond3A_21 = arith.cmpi ne, %convert_element_type3A_19, %cond3A_20 : i32
    scf.if %cond3A_21 {
      %mul3A_27 = arith.constant 3128 : i32
      %mul3A_28 = arith.muli %arg1, %mul3A_27 : i32
      %mul3A_29 = arith.constant 3128 : i32
      %mul3A_30 = arith.muli %arg1, %mul3A_29 : i32
      "tpu.region"() ({
        %run_scoped3A = tpu.sem_alloc : memref<!tpu.dma_semaphore, #tpu.memory_space<semaphore_mem>>
        %dma_start3A = arith.constant 0 : i32
        %dma_start3A_31 = tpu.memref_slice %arg5[%arg0, %mul3A_30, %dma_start3A] : memref<2x50016x32xf32, #tpu.memory_space<hbm>> -> memref<1x3128x32xf32, #tpu.memory_space<hbm>>
        %dma_start3A_32 = tpu.memref_squeeze %dma_start3A_31 : memref<1x3128x32xf32, #tpu.memory_space<hbm>> -> memref<3128x32xf32, #tpu.memory_space<hbm>>
        %dma_start3A_33 = arith.constant 0 : i32
        %dma_start3A_34 = tpu.memref_slice %arg8[%mul3A_28, %dma_start3A_33] : memref<50016x32xf32, #tpu.memory_space<vmem_shared>> -> memref<3128x32xf32, #tpu.memory_space<vmem_shared>>
        tpu.enqueue_dma source(%dma_start3A_34 : memref<3128x32xf32, #tpu.memory_space<vmem_shared>>) target(%dma_start3A_32 : memref<3128x32xf32, #tpu.memory_space<hbm>>) target_semaphore(%run_scoped3A : memref<!tpu.dma_semaphore, #tpu.memory_space<semaphore_mem>>)
        %dma_wait3A = arith.constant 0 : i32
        %dma_wait3A_35 = tpu.memref_slice %arg5[%arg0, %mul3A_30, %dma_wait3A] : memref<2x50016x32xf32, #tpu.memory_space<hbm>> -> memref<1x3128x32xf32, #tpu.memory_space<hbm>>
        %dma_wait3A_36 = tpu.memref_squeeze %dma_wait3A_35 : memref<1x3128x32xf32, #tpu.memory_space<hbm>> -> memref<3128x32xf32, #tpu.memory_space<hbm>>
        %dma_wait3A_37 = arith.constant 0 : i32
        %dma_wait3A_38 = tpu.memref_slice %arg8[%mul3A_28, %dma_wait3A_37] : memref<50016x32xf32, #tpu.memory_space<vmem_shared>> -> memref<3128x32xf32, #tpu.memory_space<vmem_shared>>
        tpu.wait_dma2 semaphore(%run_scoped3A : memref<!tpu.dma_semaphore, #tpu.memory_space<semaphore_mem>>) src(%dma_wait3A_38 : memref<3128x32xf32, #tpu.memory_space<vmem_shared>>) dst(%dma_wait3A_36 : memref<3128x32xf32, #tpu.memory_space<hbm>>)
        tpu.yield
      }) : () -> ()
    } else {
    }
    %eq3A_22 = arith.constant 15 : i32
    %eq3A_23 = arith.cmpi eq, %arg1, %eq3A_22 : i32
    %convert_element_type3A_24 = arith.extui %eq3A_23 : i1 to i32
    %cond3A_25 = arith.constant 0 : i32
    %cond3A_26 = arith.cmpi ne, %convert_element_type3A_24, %cond3A_25 : i32
    scf.if %cond3A_26 {
      "tpu.region"() ({
        %run_scoped3A = tpu.sem_alloc : memref<!tpu.dma_semaphore, #tpu.memory_space<semaphore_mem>>
        %dma_start3A = arith.constant 46920 : i32
        %dma_start3A_27 = arith.constant 0 : i32
        %dma_start3A_28 = tpu.memref_slice %arg5[%arg0, %dma_start3A, %dma_start3A_27] : memref<2x50016x32xf32, #tpu.memory_space<hbm>> -> memref<1x3096x32xf32, #tpu.memory_space<hbm>>
        %dma_start3A_29 = tpu.memref_squeeze %dma_start3A_28 : memref<1x3096x32xf32, #tpu.memory_space<hbm>> -> memref<3096x32xf32, #tpu.memory_space<hbm>>
        %dma_start3A_30 = arith.constant 46920 : i32
        %dma_start3A_31 = arith.constant 0 : i32
        %dma_start3A_32 = tpu.memref_slice %arg8[%dma_start3A_30, %dma_start3A_31] : memref<50016x32xf32, #tpu.memory_space<vmem_shared>> -> memref<3096x32xf32, #tpu.memory_space<vmem_shared>>
        tpu.enqueue_dma source(%dma_start3A_32 : memref<3096x32xf32, #tpu.memory_space<vmem_shared>>) target(%dma_start3A_29 : memref<3096x32xf32, #tpu.memory_space<hbm>>) target_semaphore(%run_scoped3A : memref<!tpu.dma_semaphore, #tpu.memory_space<semaphore_mem>>)
        %dma_wait3A = arith.constant 46920 : i32
        %dma_wait3A_33 = arith.constant 0 : i32
        %dma_wait3A_34 = tpu.memref_slice %arg5[%arg0, %dma_wait3A, %dma_wait3A_33] : memref<2x50016x32xf32, #tpu.memory_space<hbm>> -> memref<1x3096x32xf32, #tpu.memory_space<hbm>>
        %dma_wait3A_35 = tpu.memref_squeeze %dma_wait3A_34 : memref<1x3096x32xf32, #tpu.memory_space<hbm>> -> memref<3096x32xf32, #tpu.memory_space<hbm>>
        %dma_wait3A_36 = arith.constant 46920 : i32
        %dma_wait3A_37 = arith.constant 0 : i32
        %dma_wait3A_38 = tpu.memref_slice %arg8[%dma_wait3A_36, %dma_wait3A_37] : memref<50016x32xf32, #tpu.memory_space<vmem_shared>> -> memref<3096x32xf32, #tpu.memory_space<vmem_shared>>
        tpu.wait_dma2 semaphore(%run_scoped3A : memref<!tpu.dma_semaphore, #tpu.memory_space<semaphore_mem>>) src(%dma_wait3A_38 : memref<3096x32xf32, #tpu.memory_space<vmem_shared>>) dst(%dma_wait3A_35 : memref<3096x32xf32, #tpu.memory_space<hbm>>)
        tpu.yield
      }) : () -> ()
    } else {
    }
    return
  }
}

#map = affine_map<(d0, d1) -> (0, 0)>
#map1 = affine_map<(d0, d1) -> (0, 0, 0, 0)>
#map2 = affine_map<(d0, d1) -> (0, 0, 0)>
module attributes {stable_mosaic.version = 14 : i64} {
  func.func @k(%arg0: i32, %arg1: i32, %arg2: memref<50016x32xf32, #tpu.memory_space<hbm>>, %arg3: memref<2x32x196x128xi32, #tpu.memory_space<hbm>>, %arg4: memref<50016x32xf32, #tpu.memory_space<hbm>>, %arg5: memref<2x50016x32xf32, #tpu.memory_space<hbm>>, %arg6: memref<7x2x128xi32, #tpu.memory_space<vmem>>, %arg7: memref<7x128x32xf32, #tpu.memory_space<vmem>>, %arg8: memref<50016x32xf32, #tpu.memory_space<vmem_shared>>, %arg9: memref<7x!tpu.dma_semaphore, #tpu.memory_space<semaphore_mem>>, %arg10: memref<7x!tpu.dma_semaphore, #tpu.memory_space<semaphore_mem>>, %arg11: memref<7x!tpu.dma_semaphore, #tpu.memory_space<semaphore_mem>>) attributes {dimension_semantics = [#tpu.dimension_semantics<core_parallel>, #tpu.dimension_semantics<subcore_parallel>], iteration_bounds = array<i64: 2, 16>, scalar_prefetch = 0 : i64, scratch_operands = 6 : i64, tpu.core_type = #tpu.core_type<sc_vector_subcore>, window_params = [{transform_indices = #map}, {transform_indices = #map1}, {transform_indices = #map}, {transform_indices = #map2}]} {
    %mul3A = arith.constant 2 : i32
    %mul3A_0 = arith.muli %arg1, %mul3A : i32
    %add3A = arith.addi %mul3A_0, %arg0 : i32
    %lt3A = arith.constant 15 : i32
    %lt3A_1 = arith.cmpi slt, %arg1, %lt3A : i32
    %convert_element_type3A = arith.extui %lt3A_1 : i1 to i32
    %cond3A = arith.constant 0 : i32
    %cond3A_2 = arith.cmpi ne, %convert_element_type3A, %cond3A : i32
    scf.if %cond3A_2 {
      %mul3A_27 = arith.constant 3128 : i32
      %mul3A_28 = arith.muli %arg1, %mul3A_27 : i32
      %mul3A_29 = arith.constant 3128 : i32
      %mul3A_30 = arith.muli %arg1, %mul3A_29 : i32
      "tpu.region"() ({
        %run_scoped3A = tpu.sem_alloc : memref<!tpu.dma_semaphore, #tpu.memory_space<semaphore_mem>>
        %dma_start3A = arith.constant 0 : i32
        %dma_start3A_31 = tpu.memref_slice %arg8[%mul3A_30, %dma_start3A] : memref<50016x32xf32, #tpu.memory_space<vmem_shared>> -> memref<3128x32xf32, #tpu.memory_space<vmem_shared>>
        %dma_start3A_32 = arith.constant 0 : i32
        %dma_start3A_33 = tpu.memref_slice %arg4[%mul3A_28, %dma_start3A_32] : memref<50016x32xf32, #tpu.memory_space<hbm>> -> memref<3128x32xf32, #tpu.memory_space<hbm>>
        tpu.enqueue_dma source(%dma_start3A_33 : memref<3128x32xf32, #tpu.memory_space<hbm>>) target(%dma_start3A_31 : memref<3128x32xf32, #tpu.memory_space<vmem_shared>>) target_semaphore(%run_scoped3A : memref<!tpu.dma_semaphore, #tpu.memory_space<semaphore_mem>>)
        %dma_wait3A = arith.constant 0 : i32
        %dma_wait3A_34 = tpu.memref_slice %arg8[%mul3A_30, %dma_wait3A] : memref<50016x32xf32, #tpu.memory_space<vmem_shared>> -> memref<3128x32xf32, #tpu.memory_space<vmem_shared>>
        %dma_wait3A_35 = arith.constant 0 : i32
        %dma_wait3A_36 = tpu.memref_slice %arg4[%mul3A_28, %dma_wait3A_35] : memref<50016x32xf32, #tpu.memory_space<hbm>> -> memref<3128x32xf32, #tpu.memory_space<hbm>>
        tpu.wait_dma2 semaphore(%run_scoped3A : memref<!tpu.dma_semaphore, #tpu.memory_space<semaphore_mem>>) src(%dma_wait3A_36 : memref<3128x32xf32, #tpu.memory_space<hbm>>) dst(%dma_wait3A_34 : memref<3128x32xf32, #tpu.memory_space<vmem_shared>>)
        tpu.yield
      }) : () -> ()
    } else {
    }
    %eq3A = arith.constant 15 : i32
    %eq3A_3 = arith.cmpi eq, %arg1, %eq3A : i32
    %convert_element_type3A_4 = arith.extui %eq3A_3 : i1 to i32
    %cond3A_5 = arith.constant 0 : i32
    %cond3A_6 = arith.cmpi ne, %convert_element_type3A_4, %cond3A_5 : i32
    scf.if %cond3A_6 {
      "tpu.region"() ({
        %run_scoped3A = tpu.sem_alloc : memref<!tpu.dma_semaphore, #tpu.memory_space<semaphore_mem>>
        %dma_start3A = arith.constant 46920 : i32
        %dma_start3A_27 = arith.constant 0 : i32
        %dma_start3A_28 = tpu.memref_slice %arg8[%dma_start3A, %dma_start3A_27] : memref<50016x32xf32, #tpu.memory_space<vmem_shared>> -> memref<3096x32xf32, #tpu.memory_space<vmem_shared>>
        %dma_start3A_29 = arith.constant 46920 : i32
        %dma_start3A_30 = arith.constant 0 : i32
        %dma_start3A_31 = tpu.memref_slice %arg4[%dma_start3A_29, %dma_start3A_30] : memref<50016x32xf32, #tpu.memory_space<hbm>> -> memref<3096x32xf32, #tpu.memory_space<hbm>>
        tpu.enqueue_dma source(%dma_start3A_31 : memref<3096x32xf32, #tpu.memory_space<hbm>>) target(%dma_start3A_28 : memref<3096x32xf32, #tpu.memory_space<vmem_shared>>) target_semaphore(%run_scoped3A : memref<!tpu.dma_semaphore, #tpu.memory_space<semaphore_mem>>)
        %dma_wait3A = arith.constant 46920 : i32
        %dma_wait3A_32 = arith.constant 0 : i32
        %dma_wait3A_33 = tpu.memref_slice %arg8[%dma_wait3A, %dma_wait3A_32] : memref<50016x32xf32, #tpu.memory_space<vmem_shared>> -> memref<3096x32xf32, #tpu.memory_space<vmem_shared>>
        %dma_wait3A_34 = arith.constant 46920 : i32
        %dma_wait3A_35 = arith.constant 0 : i32
        %dma_wait3A_36 = tpu.memref_slice %arg4[%dma_wait3A_34, %dma_wait3A_35] : memref<50016x32xf32, #tpu.memory_space<hbm>> -> memref<3096x32xf32, #tpu.memory_space<hbm>>
        tpu.wait_dma2 semaphore(%run_scoped3A : memref<!tpu.dma_semaphore, #tpu.memory_space<semaphore_mem>>) src(%dma_wait3A_36 : memref<3096x32xf32, #tpu.memory_space<hbm>>) dst(%dma_wait3A_33 : memref<3096x32xf32, #tpu.memory_space<vmem_shared>>)
        tpu.yield
      }) : () -> ()
    } else {
    }
    %barrier3A = arith.constant 0 : index
    tpu.barrier barrier_id(%barrier3A)
    %scan3A = arith.constant 0 : i32
    %scan3A_7 = arith.constant 200 : i32
    %scan3A_8 = arith.addi %scan3A, %scan3A_7 : i32
    %scan3A_9 = arith.constant 1 : i32
    scf.for %scan3A_27 = %scan3A to %scan3A_8 step %scan3A_9  : i32 {
      %mul3A_28 = arith.constant 1 : i32
      %mul3A_29 = arith.muli %scan3A_27, %mul3A_28 : i32
      %add3A_30 = arith.constant 0 : i32
      %add3A_31 = arith.addi %add3A_30, %mul3A_29 : i32
      %lt3A_32 = arith.constant 196 : i32
      %lt3A_33 = arith.cmpi slt, %add3A_31, %lt3A_32 : i32
      %convert_element_type3A_34 = arith.extui %lt3A_33 : i1 to i32
      %cond3A_35 = arith.constant 0 : i32
      %cond3A_36 = arith.cmpi ne, %convert_element_type3A_34, %cond3A_35 : i32
      scf.if %cond3A_36 {
        %rem3A = arith.constant 7 : i32
        %rem3A_48 = arith.remsi %add3A_31, %rem3A : i32
        %ge3A_49 = arith.constant 7 : i32
        %ge3A_50 = arith.cmpi sge, %add3A_31, %ge3A_49 : i32
        %convert_element_type3A_51 = arith.extui %ge3A_50 : i1 to i32
        %cond3A_52 = arith.constant 0 : i32
        %cond3A_53 = arith.cmpi ne, %convert_element_type3A_51, %cond3A_52 : i32
        scf.if %cond3A_53 {
          %dma_wait3A = arith.constant 1 : i32
          %dma_wait3A_71 = arith.constant 0 : i32
          %dma_wait3A_72 = arith.constant 0 : i32
          %dma_wait3A_73 = tpu.memref_slice %arg7[%rem3A_48, %dma_wait3A_71, %dma_wait3A_72] : memref<7x128x32xf32, #tpu.memory_space<vmem>> -> memref<1x128x32xf32, #tpu.memory_space<vmem>>
          %dma_wait3A_74 = tpu.memref_squeeze %dma_wait3A_73 : memref<1x128x32xf32, #tpu.memory_space<vmem>> -> memref<128x32xf32, #tpu.memory_space<vmem>>
          %dma_wait3A_75 = arith.constant 0 : i32
          %dma_wait3A_76 = tpu.memref_slice %arg6[%rem3A_48, %dma_wait3A, %dma_wait3A_75] : memref<7x2x128xi32, #tpu.memory_space<vmem>> -> memref<1x1x128xi32, #tpu.memory_space<vmem>>
          %dma_wait3A_77 = tpu.memref_squeeze %dma_wait3A_76 : memref<1x1x128xi32, #tpu.memory_space<vmem>> -> memref<128xi32, #tpu.memory_space<vmem>>
          %dma_wait3A_78 = arith.constant 0 : i32
          %dma_wait3A_79 = arith.constant 0 : i32
          %dma_wait3A_80 = tpu.memref_slice %arg8[%dma_wait3A_78, %dma_wait3A_79] : memref<50016x32xf32, #tpu.memory_space<vmem_shared>> -> memref<50016x32xf32, #tpu.memory_space<vmem_shared>>
          %dma_wait3A_81 = tpu.memref_slice %arg11[%rem3A_48] : memref<7x!tpu.dma_semaphore, #tpu.memory_space<semaphore_mem>> -> memref<1x!tpu.dma_semaphore, #tpu.memory_space<semaphore_mem>>
          %dma_wait3A_82 = tpu.memref_squeeze %dma_wait3A_81 : memref<1x!tpu.dma_semaphore, #tpu.memory_space<semaphore_mem>> -> memref<!tpu.dma_semaphore, #tpu.memory_space<semaphore_mem>>
          tpu.wait_indirect_dma semaphore(%dma_wait3A_82 : memref<!tpu.dma_semaphore, #tpu.memory_space<semaphore_mem>>) src(%dma_wait3A_74 : memref<128x32xf32, #tpu.memory_space<vmem>>) dst(%dma_wait3A_80 : memref<50016x32xf32, #tpu.memory_space<vmem_shared>>)
        } else {
        }
        %dma_start3A = arith.constant 0 : i32
        %dma_start3A_54 = arith.constant 0 : i32
        %dma_start3A_55 = tpu.memref_slice %arg6[%rem3A_48, %dma_start3A, %dma_start3A_54] : memref<7x2x128xi32, #tpu.memory_space<vmem>> -> memref<1x2x128xi32, #tpu.memory_space<vmem>>
        %dma_start3A_56 = tpu.memref_squeeze %dma_start3A_55 : memref<1x2x128xi32, #tpu.memory_space<vmem>> -> memref<2x128xi32, #tpu.memory_space<vmem>>
        %dma_start3A_57 = arith.constant 0 : i32
        %dma_start3A_58 = arith.constant 0 : i32
        %dma_start3A_59 = tpu.memref_slice %arg3[%dma_start3A_57, %add3A, %add3A_31, %dma_start3A_58] : memref<2x32x196x128xi32, #tpu.memory_space<hbm>> -> memref<2x1x1x128xi32, #tpu.memory_space<hbm>>
        %dma_start3A_60 = tpu.memref_squeeze %dma_start3A_59 : memref<2x1x1x128xi32, #tpu.memory_space<hbm>> -> memref<2x128xi32, #tpu.memory_space<hbm>>
        %dma_start3A_61 = tpu.memref_slice %arg9[%rem3A_48] : memref<7x!tpu.dma_semaphore, #tpu.memory_space<semaphore_mem>> -> memref<1x!tpu.dma_semaphore, #tpu.memory_space<semaphore_mem>>
        %dma_start3A_62 = tpu.memref_squeeze %dma_start3A_61 : memref<1x!tpu.dma_semaphore, #tpu.memory_space<semaphore_mem>> -> memref<!tpu.dma_semaphore, #tpu.memory_space<semaphore_mem>>
        %dma_start3A_63 = arith.constant 0 : i32
        %dma_start3A_64 = arith.constant 0 : i32
        %dma_start3A_65 = tpu.memref_slice %arg6[%rem3A_48, %dma_start3A_63, %dma_start3A_64] : memref<7x2x128xi32, #tpu.memory_space<vmem>> -> memref<1x2x128xi32, #tpu.memory_space<vmem>>
        %dma_start3A_66 = tpu.memref_squeeze %dma_start3A_65 : memref<1x2x128xi32, #tpu.memory_space<vmem>> -> memref<2x128xi32, #tpu.memory_space<vmem>>
        %dma_start3A_67 = arith.constant 0 : i32
        %dma_start3A_68 = arith.constant 0 : i32
        %dma_start3A_69 = tpu.memref_slice %arg3[%dma_start3A_67, %add3A, %add3A_31, %dma_start3A_68] : memref<2x32x196x128xi32, #tpu.memory_space<hbm>> -> memref<2x1x1x128xi32, #tpu.memory_space<hbm>>
        %dma_start3A_70 = tpu.memref_squeeze %dma_start3A_69 : memref<2x1x1x128xi32, #tpu.memory_space<hbm>> -> memref<2x128xi32, #tpu.memory_space<hbm>>
        tpu.enqueue_dma source(%dma_start3A_70 : memref<2x128xi32, #tpu.memory_space<hbm>>) target(%dma_start3A_66 : memref<2x128xi32, #tpu.memory_space<vmem>>) target_semaphore(%dma_start3A_62 : memref<!tpu.dma_semaphore, #tpu.memory_space<semaphore_mem>>)
      } else {
      }
      %ge3A = arith.constant 2 : i32
      %ge3A_37 = arith.cmpi sge, %add3A_31, %ge3A : i32
      %lt3A_38 = arith.constant 198 : i32
      %lt3A_39 = arith.cmpi slt, %add3A_31, %lt3A_38 : i32
      %and3A = arith.andi %ge3A_37, %lt3A_39 : i1
      %convert_element_type3A_40 = arith.extui %and3A : i1 to i32
      %cond3A_41 = arith.constant 0 : i32
      %cond3A_42 = arith.cmpi ne, %convert_element_type3A_40, %cond3A_41 : i32
      scf.if %cond3A_42 {
        %sub3A = arith.constant 2 : i32
        %sub3A_48 = arith.subi %add3A_31, %sub3A : i32
        %rem3A = arith.constant 7 : i32
        %rem3A_49 = arith.remsi %sub3A_48, %rem3A : i32
        %dma_wait3A = arith.constant 0 : i32
        %dma_wait3A_50 = arith.constant 0 : i32
        %dma_wait3A_51 = arith.constant 0 : i32
        %dma_wait3A_52 = tpu.memref_slice %arg6[%rem3A_49, %dma_wait3A_50, %dma_wait3A_51] : memref<7x2x128xi32, #tpu.memory_space<vmem>> -> memref<1x2x128xi32, #tpu.memory_space<vmem>>
        %dma_wait3A_53 = tpu.memref_squeeze %dma_wait3A_52 : memref<1x2x128xi32, #tpu.memory_space<vmem>> -> memref<2x128xi32, #tpu.memory_space<vmem>>
        %dma_wait3A_54 = arith.constant 0 : i32
        %dma_wait3A_55 = arith.constant 0 : i32
        %dma_wait3A_56 = tpu.memref_slice %arg3[%dma_wait3A_54, %add3A, %dma_wait3A, %dma_wait3A_55] : memref<2x32x196x128xi32, #tpu.memory_space<hbm>> -> memref<2x1x1x128xi32, #tpu.memory_space<hbm>>
        %dma_wait3A_57 = tpu.memref_squeeze %dma_wait3A_56 : memref<2x1x1x128xi32, #tpu.memory_space<hbm>> -> memref<2x128xi32, #tpu.memory_space<hbm>>
        %dma_wait3A_58 = tpu.memref_slice %arg9[%rem3A_49] : memref<7x!tpu.dma_semaphore, #tpu.memory_space<semaphore_mem>> -> memref<1x!tpu.dma_semaphore, #tpu.memory_space<semaphore_mem>>
        %dma_wait3A_59 = tpu.memref_squeeze %dma_wait3A_58 : memref<1x!tpu.dma_semaphore, #tpu.memory_space<semaphore_mem>> -> memref<!tpu.dma_semaphore, #tpu.memory_space<semaphore_mem>>
        %dma_wait3A_60 = arith.constant 0 : i32
        %dma_wait3A_61 = arith.constant 0 : i32
        %dma_wait3A_62 = tpu.memref_slice %arg6[%rem3A_49, %dma_wait3A_60, %dma_wait3A_61] : memref<7x2x128xi32, #tpu.memory_space<vmem>> -> memref<1x2x128xi32, #tpu.memory_space<vmem>>
        %dma_wait3A_63 = tpu.memref_squeeze %dma_wait3A_62 : memref<1x2x128xi32, #tpu.memory_space<vmem>> -> memref<2x128xi32, #tpu.memory_space<vmem>>
        %dma_wait3A_64 = arith.constant 0 : i32
        %dma_wait3A_65 = arith.constant 0 : i32
        %dma_wait3A_66 = tpu.memref_slice %arg3[%dma_wait3A_64, %add3A, %dma_wait3A, %dma_wait3A_65] : memref<2x32x196x128xi32, #tpu.memory_space<hbm>> -> memref<2x1x1x128xi32, #tpu.memory_space<hbm>>
        %dma_wait3A_67 = tpu.memref_squeeze %dma_wait3A_66 : memref<2x1x1x128xi32, #tpu.memory_space<hbm>> -> memref<2x128xi32, #tpu.memory_space<hbm>>
        tpu.wait_dma2 semaphore(%dma_wait3A_59 : memref<!tpu.dma_semaphore, #tpu.memory_space<semaphore_mem>>) src(%dma_wait3A_67 : memref<2x128xi32, #tpu.memory_space<hbm>>) dst(%dma_wait3A_63 : memref<2x128xi32, #tpu.memory_space<vmem>>)
        %dma_start3A = arith.constant 0 : i32
        %dma_start3A_68 = arith.constant 0 : i32
        %dma_start3A_69 = arith.constant 0 : i32
        %dma_start3A_70 = tpu.memref_slice %arg7[%rem3A_49, %dma_start3A_68, %dma_start3A_69] : memref<7x128x32xf32, #tpu.memory_space<vmem>> -> memref<1x128x32xf32, #tpu.memory_space<vmem>>
        %dma_start3A_71 = tpu.memref_squeeze %dma_start3A_70 : memref<1x128x32xf32, #tpu.memory_space<vmem>> -> memref<128x32xf32, #tpu.memory_space<vmem>>
        %dma_start3A_72 = arith.constant 0 : i32
        %dma_start3A_73 = tpu.memref_slice %arg6[%rem3A_49, %dma_start3A, %dma_start3A_72] : memref<7x2x128xi32, #tpu.memory_space<vmem>> -> memref<1x1x128xi32, #tpu.memory_space<vmem>>
        %dma_start3A_74 = tpu.memref_squeeze %dma_start3A_73 : memref<1x1x128xi32, #tpu.memory_space<vmem>> -> memref<128xi32, #tpu.memory_space<vmem>>
        %dma_start3A_75 = arith.constant 0 : i32
        %dma_start3A_76 = arith.constant 0 : i32
        %dma_start3A_77 = tpu.memref_slice %arg2[%dma_start3A_75, %dma_start3A_76] : memref<50016x32xf32, #tpu.memory_space<hbm>> -> memref<50016x32xf32, #tpu.memory_space<hbm>>
        %dma_start3A_78 = tpu.memref_slice %arg10[%rem3A_49] : memref<7x!tpu.dma_semaphore, #tpu.memory_space<semaphore_mem>> -> memref<1x!tpu.dma_semaphore, #tpu.memory_space<semaphore_mem>>
        %dma_start3A_79 = tpu.memref_squeeze %dma_start3A_78 : memref<1x!tpu.dma_semaphore, #tpu.memory_space<semaphore_mem>> -> memref<!tpu.dma_semaphore, #tpu.memory_space<semaphore_mem>>
        tpu.enqueue_indirect_dma source(%dma_start3A_77 : memref<50016x32xf32, #tpu.memory_space<hbm>>) target(%dma_start3A_71 : memref<128x32xf32, #tpu.memory_space<vmem>>) offsets(%dma_start3A_74 : memref<128xi32, #tpu.memory_space<vmem>>) semaphore(%dma_start3A_79 : memref<!tpu.dma_semaphore, #tpu.memory_space<semaphore_mem>>)
      } else {
      }
      %ge3A_43 = arith.constant 4 : i32
      %ge3A_44 = arith.cmpi sge, %add3A_31, %ge3A_43 : i32
      %convert_element_type3A_45 = arith.extui %ge3A_44 : i1 to i32
      %cond3A_46 = arith.constant 0 : i32
      %cond3A_47 = arith.cmpi ne, %convert_element_type3A_45, %cond3A_46 : i32
      scf.if %cond3A_47 {
        %sub3A = arith.constant 4 : i32
        %sub3A_48 = arith.subi %add3A_31, %sub3A : i32
        %rem3A = arith.constant 7 : i32
        %rem3A_49 = arith.remsi %sub3A_48, %rem3A : i32
        %dma_wait3A = arith.constant 0 : i32
        %dma_wait3A_50 = arith.constant 0 : i32
        %dma_wait3A_51 = arith.constant 0 : i32
        %dma_wait3A_52 = tpu.memref_slice %arg7[%rem3A_49, %dma_wait3A_50, %dma_wait3A_51] : memref<7x128x32xf32, #tpu.memory_space<vmem>> -> memref<1x128x32xf32, #tpu.memory_space<vmem>>
        %dma_wait3A_53 = tpu.memref_squeeze %dma_wait3A_52 : memref<1x128x32xf32, #tpu.memory_space<vmem>> -> memref<128x32xf32, #tpu.memory_space<vmem>>
        %dma_wait3A_54 = arith.constant 0 : i32
        %dma_wait3A_55 = tpu.memref_slice %arg6[%rem3A_49, %dma_wait3A, %dma_wait3A_54] : memref<7x2x128xi32, #tpu.memory_space<vmem>> -> memref<1x1x128xi32, #tpu.memory_space<vmem>>
        %dma_wait3A_56 = tpu.memref_squeeze %dma_wait3A_55 : memref<1x1x128xi32, #tpu.memory_space<vmem>> -> memref<128xi32, #tpu.memory_space<vmem>>
        %dma_wait3A_57 = arith.constant 0 : i32
        %dma_wait3A_58 = arith.constant 0 : i32
        %dma_wait3A_59 = tpu.memref_slice %arg2[%dma_wait3A_57, %dma_wait3A_58] : memref<50016x32xf32, #tpu.memory_space<hbm>> -> memref<50016x32xf32, #tpu.memory_space<hbm>>
        %dma_wait3A_60 = tpu.memref_slice %arg10[%rem3A_49] : memref<7x!tpu.dma_semaphore, #tpu.memory_space<semaphore_mem>> -> memref<1x!tpu.dma_semaphore, #tpu.memory_space<semaphore_mem>>
        %dma_wait3A_61 = tpu.memref_squeeze %dma_wait3A_60 : memref<1x!tpu.dma_semaphore, #tpu.memory_space<semaphore_mem>> -> memref<!tpu.dma_semaphore, #tpu.memory_space<semaphore_mem>>
        tpu.wait_indirect_dma semaphore(%dma_wait3A_61 : memref<!tpu.dma_semaphore, #tpu.memory_space<semaphore_mem>>) src(%dma_wait3A_59 : memref<50016x32xf32, #tpu.memory_space<hbm>>) dst(%dma_wait3A_53 : memref<128x32xf32, #tpu.memory_space<vmem>>)
        %dma_start3A = arith.constant 1 : i32
        %dma_start3A_62 = arith.constant 0 : i32
        %dma_start3A_63 = arith.constant 0 : i32
        %dma_start3A_64 = tpu.memref_slice %arg7[%rem3A_49, %dma_start3A_62, %dma_start3A_63] : memref<7x128x32xf32, #tpu.memory_space<vmem>> -> memref<1x128x32xf32, #tpu.memory_space<vmem>>
        %dma_start3A_65 = tpu.memref_squeeze %dma_start3A_64 : memref<1x128x32xf32, #tpu.memory_space<vmem>> -> memref<128x32xf32, #tpu.memory_space<vmem>>
        %dma_start3A_66 = arith.constant 0 : i32
        %dma_start3A_67 = tpu.memref_slice %arg6[%rem3A_49, %dma_start3A, %dma_start3A_66] : memref<7x2x128xi32, #tpu.memory_space<vmem>> -> memref<1x1x128xi32, #tpu.memory_space<vmem>>
        %dma_start3A_68 = tpu.memref_squeeze %dma_start3A_67 : memref<1x1x128xi32, #tpu.memory_space<vmem>> -> memref<128xi32, #tpu.memory_space<vmem>>
        %dma_start3A_69 = arith.constant 0 : i32
        %dma_start3A_70 = arith.constant 0 : i32
        %dma_start3A_71 = tpu.memref_slice %arg8[%dma_start3A_69, %dma_start3A_70] : memref<50016x32xf32, #tpu.memory_space<vmem_shared>> -> memref<50016x32xf32, #tpu.memory_space<vmem_shared>>
        %dma_start3A_72 = tpu.memref_slice %arg11[%rem3A_49] : memref<7x!tpu.dma_semaphore, #tpu.memory_space<semaphore_mem>> -> memref<1x!tpu.dma_semaphore, #tpu.memory_space<semaphore_mem>>
        %dma_start3A_73 = tpu.memref_squeeze %dma_start3A_72 : memref<1x!tpu.dma_semaphore, #tpu.memory_space<semaphore_mem>> -> memref<!tpu.dma_semaphore, #tpu.memory_space<semaphore_mem>>
        tpu.enqueue_indirect_dma source(%dma_start3A_65 : memref<128x32xf32, #tpu.memory_space<vmem>>) target(%dma_start3A_71 : memref<50016x32xf32, #tpu.memory_space<vmem_shared>>) offsets(%dma_start3A_68 : memref<128xi32, #tpu.memory_space<vmem>>) semaphore(%dma_start3A_73 : memref<!tpu.dma_semaphore, #tpu.memory_space<semaphore_mem>>) {add = true}
      } else {
      }
    }
    %scan3A_10 = arith.constant 200 : i32
    %scan3A_11 = arith.constant 0 : i32
    %scan3A_12 = arith.constant 7 : i32
    %scan3A_13 = arith.addi %scan3A_11, %scan3A_12 : i32
    %scan3A_14 = arith.constant 1 : i32
    scf.for %scan3A_27 = %scan3A_11 to %scan3A_13 step %scan3A_14  : i32 {
      %mul3A_28 = arith.constant 1 : i32
      %mul3A_29 = arith.muli %scan3A_27, %mul3A_28 : i32
      %add3A_30 = arith.constant 0 : i32
      %add3A_31 = arith.addi %add3A_30, %mul3A_29 : i32
      %dma_wait3A = arith.constant 1 : i32
      %dma_wait3A_32 = arith.constant 0 : i32
      %dma_wait3A_33 = arith.constant 0 : i32
      %dma_wait3A_34 = tpu.memref_slice %arg7[%add3A_31, %dma_wait3A_32, %dma_wait3A_33] : memref<7x128x32xf32, #tpu.memory_space<vmem>> -> memref<1x128x32xf32, #tpu.memory_space<vmem>>
      %dma_wait3A_35 = tpu.memref_squeeze %dma_wait3A_34 : memref<1x128x32xf32, #tpu.memory_space<vmem>> -> memref<128x32xf32, #tpu.memory_space<vmem>>
      %dma_wait3A_36 = arith.constant 0 : i32
      %dma_wait3A_37 = tpu.memref_slice %arg6[%add3A_31, %dma_wait3A, %dma_wait3A_36] : memref<7x2x128xi32, #tpu.memory_space<vmem>> -> memref<1x1x128xi32, #tpu.memory_space<vmem>>
      %dma_wait3A_38 = tpu.memref_squeeze %dma_wait3A_37 : memref<1x1x128xi32, #tpu.memory_space<vmem>> -> memref<128xi32, #tpu.memory_space<vmem>>
      %dma_wait3A_39 = arith.constant 0 : i32
      %dma_wait3A_40 = arith.constant 0 : i32
      %dma_wait3A_41 = tpu.memref_slice %arg8[%dma_wait3A_39, %dma_wait3A_40] : memref<50016x32xf32, #tpu.memory_space<vmem_shared>> -> memref<50016x32xf32, #tpu.memory_space<vmem_shared>>
      %dma_wait3A_42 = tpu.memref_slice %arg11[%add3A_31] : memref<7x!tpu.dma_semaphore, #tpu.memory_space<semaphore_mem>> -> memref<1x!tpu.dma_semaphore, #tpu.memory_space<semaphore_mem>>
      %dma_wait3A_43 = tpu.memref_squeeze %dma_wait3A_42 : memref<1x!tpu.dma_semaphore, #tpu.memory_space<semaphore_mem>> -> memref<!tpu.dma_semaphore, #tpu.memory_space<semaphore_mem>>
      tpu.wait_indirect_dma semaphore(%dma_wait3A_43 : memref<!tpu.dma_semaphore, #tpu.memory_space<semaphore_mem>>) src(%dma_wait3A_35 : memref<128x32xf32, #tpu.memory_space<vmem>>) dst(%dma_wait3A_41 : memref<50016x32xf32, #tpu.memory_space<vmem_shared>>)
    }
    %scan3A_15 = arith.constant 7 : i32
    %barrier3A_16 = arith.constant 0 : index
    tpu.barrier barrier_id(%barrier3A_16)
    %lt3A_17 = arith.constant 15 : i32
    %lt3A_18 = arith.cmpi slt, %arg1, %lt3A_17 : i32
    %convert_element_type3A_19 = arith.extui %lt3A_18 : i1 to i32
    %cond3A_20 = arith.constant 0 : i32
    %cond3A_21 = arith.cmpi ne, %convert_element_type3A_19, %cond3A_20 : i32
    scf.if %cond3A_21 {
      %mul3A_27 = arith.constant 3128 : i32
      %mul3A_28 = arith.muli %arg1, %mul3A_27 : i32
      %mul3A_29 = arith.constant 3128 : i32
      %mul3A_30 = arith.muli %arg1, %mul3A_29 : i32
      "tpu.region"() ({
        %run_scoped3A = tpu.sem_alloc : memref<!tpu.dma_semaphore, #tpu.memory_space<semaphore_mem>>
        %dma_start3A = arith.constant 0 : i32
        %dma_start3A_31 = tpu.memref_slice %arg5[%arg0, %mul3A_30, %dma_start3A] : memref<2x50016x32xf32, #tpu.memory_space<hbm>> -> memref<1x3128x32xf32, #tpu.memory_space<hbm>>
        %dma_start3A_32 = tpu.memref_squeeze %dma_start3A_31 : memref<1x3128x32xf32, #tpu.memory_space<hbm>> -> memref<3128x32xf32, #tpu.memory_space<hbm>>
        %dma_start3A_33 = arith.constant 0 : i32
        %dma_start3A_34 = tpu.memref_slice %arg8[%mul3A_28, %dma_start3A_33] : memref<50016x32xf32, #tpu.memory_space<vmem_shared>> -> memref<3128x32xf32, #tpu.memory_space<vmem_shared>>
        tpu.enqueue_dma source(%dma_start3A_34 : memref<3128x32xf32, #tpu.memory_space<vmem_shared>>) target(%dma_start3A_32 : memref<3128x32xf32, #tpu.memory_space<hbm>>) target_semaphore(%run_scoped3A : memref<!tpu.dma_semaphore, #tpu.memory_space<semaphore_mem>>)
        %dma_wait3A = arith.constant 0 : i32
        %dma_wait3A_35 = tpu.memref_slice %arg5[%arg0, %mul3A_30, %dma_wait3A] : memref<2x50016x32xf32, #tpu.memory_space<hbm>> -> memref<1x3128x32xf32, #tpu.memory_space<hbm>>
        %dma_wait3A_36 = tpu.memref_squeeze %dma_wait3A_35 : memref<1x3128x32xf32, #tpu.memory_space<hbm>> -> memref<3128x32xf32, #tpu.memory_space<hbm>>
        %dma_wait3A_37 = arith.constant 0 : i32
        %dma_wait3A_38 = tpu.memref_slice %arg8[%mul3A_28, %dma_wait3A_37] : memref<50016x32xf32, #tpu.memory_space<vmem_shared>> -> memref<3128x32xf32, #tpu.memory_space<vmem_shared>>
        tpu.wait_dma2 semaphore(%run_scoped3A : memref<!tpu.dma_semaphore, #tpu.memory_space<semaphore_mem>>) src(%dma_wait3A_38 : memref<3128x32xf32, #tpu.memory_space<vmem_shared>>) dst(%dma_wait3A_36 : memref<3128x32xf32, #tpu.memory_space<hbm>>)
        tpu.yield
      }) : () -> ()
    } else {
    }
    %eq3A_22 = arith.constant 15 : i32
    %eq3A_23 = arith.cmpi eq, %arg1, %eq3A_22 : i32
    %convert_element_type3A_24 = arith.extui %eq3A_23 : i1 to i32
    %cond3A_25 = arith.constant 0 : i32
    %cond3A_26 = arith.cmpi ne, %convert_element_type3A_24, %cond3A_25 : i32
    scf.if %cond3A_26 {
      "tpu.region"() ({
        %run_scoped3A = tpu.sem_alloc : memref<!tpu.dma_semaphore, #tpu.memory_space<semaphore_mem>>
        %dma_start3A = arith.constant 46920 : i32
        %dma_start3A_27 = arith.constant 0 : i32
        %dma_start3A_28 = tpu.memref_slice %arg5[%arg0, %dma_start3A, %dma_start3A_27] : memref<2x50016x32xf32, #tpu.memory_space<hbm>> -> memref<1x3096x32xf32, #tpu.memory_space<hbm>>
        %dma_start3A_29 = tpu.memref_squeeze %dma_start3A_28 : memref<1x3096x32xf32, #tpu.memory_space<hbm>> -> memref<3096x32xf32, #tpu.memory_space<hbm>>
        %dma_start3A_30 = arith.constant 46920 : i32
        %dma_start3A_31 = arith.constant 0 : i32
        %dma_start3A_32 = tpu.memref_slice %arg8[%dma_start3A_30, %dma_start3A_31] : memref<50016x32xf32, #tpu.memory_space<vmem_shared>> -> memref<3096x32xf32, #tpu.memory_space<vmem_shared>>
        tpu.enqueue_dma source(%dma_start3A_32 : memref<3096x32xf32, #tpu.memory_space<vmem_shared>>) target(%dma_start3A_29 : memref<3096x32xf32, #tpu.memory_space<hbm>>) target_semaphore(%run_scoped3A : memref<!tpu.dma_semaphore, #tpu.memory_space<semaphore_mem>>)
        %dma_wait3A = arith.constant 46920 : i32
        %dma_wait3A_33 = arith.constant 0 : i32
        %dma_wait3A_34 = tpu.memref_slice %arg5[%arg0, %dma_wait3A, %dma_wait3A_33] : memref<2x50016x32xf32, #tpu.memory_space<hbm>> -> memref<1x3096x32xf32, #tpu.memory_space<hbm>>
        %dma_wait3A_35 = tpu.memref_squeeze %dma_wait3A_34 : memref<1x3096x32xf32, #tpu.memory_space<hbm>> -> memref<3096x32xf32, #tpu.memory_space<hbm>>
        %dma_wait3A_36 = arith.constant 46920 : i32
        %dma_wait3A_37 = arith.constant 0 : i32
        %dma_wait3A_38 = tpu.memref_slice %arg8[%dma_wait3A_36, %dma_wait3A_37] : memref<50016x32xf32, #tpu.memory_space<vmem_shared>> -> memref<3096x32xf32, #tpu.memory_space<vmem_shared>>
        tpu.wait_dma2 semaphore(%run_scoped3A : memref<!tpu.dma_semaphore, #tpu.memory_space<semaphore_mem>>) src(%dma_wait3A_38 : memref<3096x32xf32, #tpu.memory_space<vmem_shared>>) dst(%dma_wait3A_35 : memref<3096x32xf32, #tpu.memory_space<hbm>>)
        tpu.yield
      }) : () -> ()
    } else {
    }
    return
  }
}

module attributes {stable_mosaic.version = 14 : i64} {
  func.func @body(%arg0: i32, %arg1: memref<4168x400xf32, #tpu.memory_space<vmem>>, %arg2: memref<400x256xf32, #tpu.memory_space<vmem>>, %arg3: memref<2x4168x128xf32, #tpu.memory_space<vmem>>, %arg4: memref<4168x128xf32, #tpu.memory_space<vmem>>, %arg5: memref<4168x128xf32, #tpu.memory_space<vmem>>, %arg6: memref<4168x128xf32, #tpu.memory_space<vmem>>) attributes {dimension_semantics = [#tpu.dimension_semantics<arbitrary>], iteration_bounds = array<i64: 3>, scalar_prefetch = 0 : i64, scratch_operands = 0 : i64, tpu.core_type = #tpu.core_type<tc>, window_params = [{transform_indices = @transform_0, window_bounds = array<i64: 4168, 400>}, {pipeline_mode = #tpu.pipeline_mode<synchronous>, transform_indices = @transform_1, window_bounds = array<i64: 400, 256>}, {transform_indices = @transform_2, window_bounds = array<i64: 2, 4168, 128>}, {transform_indices = @transform_3, window_bounds = array<i64: 4168, 128>}, {transform_indices = @transform_4, window_bounds = array<i64: 4168, 128>}, {transform_indices = @transform_5, window_bounds = array<i64: 4168, 128>}]} {
    %get3A = arith.constant 0 : index
    %get3A_0 = arith.constant 0 : index
    %get3A_1 = vector.load %arg1[%get3A, %get3A_0] : memref<4168x400xf32, #tpu.memory_space<vmem>>, vector<4168x400xf32>
    %get3A_2 = arith.constant 0 : index
    %get3A_3 = arith.constant 0 : index
    %get3A_4 = vector.load %arg2[%get3A_2, %get3A_3] : memref<400x256xf32, #tpu.memory_space<vmem>>, vector<400x256xf32>
    %dot_general3A = arith.constant dense<0.000000e+00> : vector<4168x256xf32>
    %dot_general3A_5 = tpu.matmul %get3A_1, %get3A_4, %dot_general3A {dimension_numbers = #tpu.dot_dimension_numbers<[1], [0], [0], [1], [0, 0, 1, 1], [], []>, transpose_lhs_hint = false} : vector<4168x400xf32>, vector<400x256xf32>, vector<4168x256xf32> -> vector<4168x256xf32>
    %get3A_6 = arith.constant 0 : index
    %get3A_7 = arith.constant 0 : index
    %get3A_8 = arith.constant 0 : index
    %get3A_9 = vector.load %arg3[%get3A_6, %get3A_7, %get3A_8] : memref<2x4168x128xf32, #tpu.memory_space<vmem>>, vector<1x4168x128xf32>
    %get3A_10 = vector.shape_cast %get3A_9 : vector<1x4168x128xf32> to vector<4168x128xf32>
    %get3A_11 = arith.constant 1 : index
    %get3A_12 = arith.constant 0 : index
    %get3A_13 = arith.constant 0 : index
    %get3A_14 = vector.load %arg3[%get3A_11, %get3A_12, %get3A_13] : memref<2x4168x128xf32, #tpu.memory_space<vmem>>, vector<1x4168x128xf32>
    %get3A_15 = vector.shape_cast %get3A_14 : vector<1x4168x128xf32> to vector<4168x128xf32>
    %add3A = arith.addf %get3A_10, %get3A_15 : vector<4168x128xf32>
    %gt3A = arith.constant 0.000000e+00 : f32
    %gt3A_16 = vector.broadcast %gt3A : f32 to vector<4168x128xf32>
    %gt3A_17 = arith.cmpf ogt, %add3A, %gt3A_16 : vector<4168x128xf32>
    %max3A = arith.constant 1.000000e+00 : f32
    %max3A_18 = vector.broadcast %max3A : f32 to vector<4168x128xf32>
    %max3A_19 = arith.maximumf %add3A, %max3A_18 : vector<4168x128xf32>
    %rsqrt3A = math.rsqrt %max3A_19 : vector<4168x128xf32>
    %jit3A = arith.constant 0.000000e+00 : f32
    %broadcast_in_dim3A = vector.broadcast %jit3A : f32 to vector<4168x128xf32>
    %select_n3A = arith.select %gt3A_17, %rsqrt3A, %broadcast_in_dim3A : vector<4168x128xi1>, vector<4168x128xf32>
    %swap3A = arith.constant 0 : index
    %swap3A_20 = arith.constant 0 : index
    %swap3A_21 = vector.load %arg4[%swap3A, %swap3A_20] : memref<4168x128xf32, #tpu.memory_space<vmem>>, vector<4168x128xf32>
    tpu.vector_store %arg4[%swap3A, %swap3A_20], %select_n3A {strides = array<i32>} : memref<4168x128xf32, #tpu.memory_space<vmem>>, vector<4168x128xf32>,
    %slice3A = vector.extract_strided_slice %dot_general3A_5 {offsets = [0, 0], sizes = [4168, 128], strides = [1, 1]} : vector<4168x256xf32> to vector<4168x128xf32>
    %mul3A = arith.mulf %slice3A, %select_n3A : vector<4168x128xf32>
    %swap3A_22 = arith.constant 0 : index
    %swap3A_23 = arith.constant 0 : index
    %swap3A_24 = vector.load %arg5[%swap3A_22, %swap3A_23] : memref<4168x128xf32, #tpu.memory_space<vmem>>, vector<4168x128xf32>
    tpu.vector_store %arg5[%swap3A_22, %swap3A_23], %mul3A {strides = array<i32>} : memref<4168x128xf32, #tpu.memory_space<vmem>>, vector<4168x128xf32>,
    %slice3A_25 = vector.extract_strided_slice %dot_general3A_5 {offsets = [0, 128], sizes = [4168, 128], strides = [1, 1]} : vector<4168x256xf32> to vector<4168x128xf32>
    %swap3A_26 = arith.constant 0 : index
    %swap3A_27 = arith.constant 0 : index
    %swap3A_28 = vector.load %arg6[%swap3A_26, %swap3A_27] : memref<4168x128xf32, #tpu.memory_space<vmem>>, vector<4168x128xf32>
    tpu.vector_store %arg6[%swap3A_26, %swap3A_27], %slice3A_25 {strides = array<i32>} : memref<4168x128xf32, #tpu.memory_space<vmem>>, vector<4168x128xf32>,
    return
  }
  func.func @transform_0(%arg0: i32) -> (i32, i32) {
    %c0_i32 = arith.constant 0 : i32
    %c0_i32_0 = arith.constant 0 : i32
    return %arg0, %c0_i32 : i32, i32
  }
  func.func @transform_1(%arg0: i32) -> (i32, i32) {
    %c0_i32 = arith.constant 0 : i32
    %c0_i32_0 = arith.constant 0 : i32
    %c0_i32_1 = arith.constant 0 : i32
    return %c0_i32, %c0_i32_0 : i32, i32
  }
  func.func @transform_2(%arg0: i32) -> (i32, i32, i32) {
    %c0_i32 = arith.constant 0 : i32
    %c0_i32_0 = arith.constant 0 : i32
    %c0_i32_1 = arith.constant 0 : i32
    return %c0_i32, %arg0, %c0_i32_0 : i32, i32, i32
  }
  func.func @transform_3(%arg0: i32) -> (i32, i32) {
    %c0_i32 = arith.constant 0 : i32
    %c0_i32_0 = arith.constant 0 : i32
    return %arg0, %c0_i32 : i32, i32
  }
  func.func @transform_4(%arg0: i32) -> (i32, i32) {
    %c0_i32 = arith.constant 0 : i32
    %c0_i32_0 = arith.constant 0 : i32
    return %arg0, %c0_i32 : i32, i32
  }
  func.func @transform_5(%arg0: i32) -> (i32, i32) {
    %c0_i32 = arith.constant 0 : i32
    %c0_i32_0 = arith.constant 0 : i32
    return %arg0, %c0_i32 : i32, i32
  }
}

module attributes {stable_mosaic.version = 14 : i64} {
  func.func @body(%arg0: i32, %arg1: memref<2x4168x128xf32, #tpu.memory_space<vmem>>, %arg2: memref<4168x128xf32, #tpu.memory_space<vmem>>, %arg3: memref<4168x128xf32, #tpu.memory_space<vmem>>, %arg4: memref<1x128xf32, #tpu.memory_space<vmem>>, %arg5: memref<4168x128xf32, #tpu.memory_space<vmem>>, %arg6: memref<4168x128xf32, #tpu.memory_space<vmem>>) attributes {dimension_semantics = [#tpu.dimension_semantics<arbitrary>], iteration_bounds = array<i64: 3>, scalar_prefetch = 0 : i64, scratch_operands = 0 : i64, tpu.core_type = #tpu.core_type<tc>, window_params = [{transform_indices = @transform_0, window_bounds = array<i64: 2, 4168, 128>}, {transform_indices = @transform_1, window_bounds = array<i64: 4168, 128>}, {transform_indices = @transform_2, window_bounds = array<i64: 4168, 128>}, {pipeline_mode = #tpu.pipeline_mode<synchronous>, transform_indices = @transform_3, window_bounds = array<i64: 1, 128>}, {transform_indices = @transform_4, window_bounds = array<i64: 4168, 128>}, {transform_indices = @transform_5, window_bounds = array<i64: 4168, 128>}]} {
    %get3A = arith.constant 0 : index
    %get3A_0 = arith.constant 0 : index
    %get3A_1 = arith.constant 0 : index
    %get3A_2 = vector.load %arg1[%get3A, %get3A_0, %get3A_1] : memref<2x4168x128xf32, #tpu.memory_space<vmem>>, vector<1x4168x128xf32>
    %get3A_3 = vector.shape_cast %get3A_2 : vector<1x4168x128xf32> to vector<4168x128xf32>
    %get3A_4 = arith.constant 1 : index
    %get3A_5 = arith.constant 0 : index
    %get3A_6 = arith.constant 0 : index
    %get3A_7 = vector.load %arg1[%get3A_4, %get3A_5, %get3A_6] : memref<2x4168x128xf32, #tpu.memory_space<vmem>>, vector<1x4168x128xf32>
    %get3A_8 = vector.shape_cast %get3A_7 : vector<1x4168x128xf32> to vector<4168x128xf32>
    %add3A = arith.addf %get3A_3, %get3A_8 : vector<4168x128xf32>
    %get3A_9 = arith.constant 0 : index
    %get3A_10 = arith.constant 0 : index
    %get3A_11 = vector.load %arg2[%get3A_9, %get3A_10] : memref<4168x128xf32, #tpu.memory_space<vmem>>, vector<4168x128xf32>
    %mul3A = arith.mulf %add3A, %get3A_11 : vector<4168x128xf32>
    %get3A_12 = arith.constant 0 : index
    %get3A_13 = arith.constant 0 : index
    %get3A_14 = vector.load %arg3[%get3A_12, %get3A_13] : memref<4168x128xf32, #tpu.memory_space<vmem>>, vector<4168x128xf32>
    %add3A_15 = arith.addf %mul3A, %get3A_14 : vector<4168x128xf32>
    %get3A_16 = arith.constant 0 : index
    %get3A_17 = arith.constant 0 : index
    %get3A_18 = vector.load %arg4[%get3A_16, %get3A_17] : memref<1x128xf32, #tpu.memory_space<vmem>>, vector<1x128xf32>
    %add3A_19 = vector.broadcast %get3A_18 : vector<1x128xf32> to vector<4168x128xf32>
    %add3A_20 = arith.addf %add3A_15, %add3A_19 : vector<4168x128xf32>
    %max3A = arith.constant 0.000000e+00 : f32
    %max3A_21 = vector.broadcast %max3A : f32 to vector<4168x128xf32>
    %max3A_22 = arith.maximumf %add3A_20, %max3A_21 : vector<4168x128xf32>
    %swap3A = arith.constant 0 : index
    %swap3A_23 = arith.constant 0 : index
    %swap3A_24 = vector.load %arg5[%swap3A, %swap3A_23] : memref<4168x128xf32, #tpu.memory_space<vmem>>, vector<4168x128xf32>
    tpu.vector_store %arg5[%swap3A, %swap3A_23], %max3A_22 {strides = array<i32>} : memref<4168x128xf32, #tpu.memory_space<vmem>>, vector<4168x128xf32>,
    %get3A_25 = arith.constant 0 : index
    %get3A_26 = arith.constant 0 : index
    %get3A_27 = vector.load %arg2[%get3A_25, %get3A_26] : memref<4168x128xf32, #tpu.memory_space<vmem>>, vector<4168x128xf32>
    %mul3A_28 = arith.mulf %max3A_22, %get3A_27 : vector<4168x128xf32>
    %swap3A_29 = arith.constant 0 : index
    %swap3A_30 = arith.constant 0 : index
    %swap3A_31 = vector.load %arg6[%swap3A_29, %swap3A_30] : memref<4168x128xf32, #tpu.memory_space<vmem>>, vector<4168x128xf32>
    tpu.vector_store %arg6[%swap3A_29, %swap3A_30], %mul3A_28 {strides = array<i32>} : memref<4168x128xf32, #tpu.memory_space<vmem>>, vector<4168x128xf32>,
    return
  }
  func.func @transform_0(%arg0: i32) -> (i32, i32, i32) {
    %c0_i32 = arith.constant 0 : i32
    %c0_i32_0 = arith.constant 0 : i32
    %c0_i32_1 = arith.constant 0 : i32
    return %c0_i32, %arg0, %c0_i32_0 : i32, i32, i32
  }
  func.func @transform_1(%arg0: i32) -> (i32, i32) {
    %c0_i32 = arith.constant 0 : i32
    %c0_i32_0 = arith.constant 0 : i32
    return %arg0, %c0_i32 : i32, i32
  }
  func.func @transform_2(%arg0: i32) -> (i32, i32) {
    %c0_i32 = arith.constant 0 : i32
    %c0_i32_0 = arith.constant 0 : i32
    return %arg0, %c0_i32 : i32, i32
  }
  func.func @transform_3(%arg0: i32) -> (i32, i32) {
    %c0_i32 = arith.constant 0 : i32
    %c0_i32_0 = arith.constant 0 : i32
    %c0_i32_1 = arith.constant 0 : i32
    return %c0_i32, %c0_i32_0 : i32, i32
  }
  func.func @transform_4(%arg0: i32) -> (i32, i32) {
    %c0_i32 = arith.constant 0 : i32
    %c0_i32_0 = arith.constant 0 : i32
    return %arg0, %c0_i32 : i32, i32
  }
  func.func @transform_5(%arg0: i32) -> (i32, i32) {
    %c0_i32 = arith.constant 0 : i32
    %c0_i32_0 = arith.constant 0 : i32
    return %arg0, %c0_i32 : i32, i32
  }
}

module attributes {stable_mosaic.version = 14 : i64} {
  func.func @body(%arg0: i32, %arg1: memref<2x4168x128xf32, #tpu.memory_space<vmem>>, %arg2: memref<4168x128xf32, #tpu.memory_space<vmem>>, %arg3: memref<4168x128xf32, #tpu.memory_space<vmem>>, %arg4: memref<128x8xf32, #tpu.memory_space<vmem>>, %arg5: memref<128x8xf32, #tpu.memory_space<vmem>>, %arg6: memref<1x8xf32, #tpu.memory_space<vmem>>, %arg7: memref<4168x8xf32, #tpu.memory_space<vmem>>) attributes {dimension_semantics = [#tpu.dimension_semantics<arbitrary>], iteration_bounds = array<i64: 3>, scalar_prefetch = 0 : i64, scratch_operands = 0 : i64, tpu.core_type = #tpu.core_type<tc>, window_params = [{transform_indices = @transform_0, window_bounds = array<i64: 2, 4168, 128>}, {transform_indices = @transform_1, window_bounds = array<i64: 4168, 128>}, {transform_indices = @transform_2, window_bounds = array<i64: 4168, 128>}, {pipeline_mode = #tpu.pipeline_mode<synchronous>, transform_indices = @transform_3, window_bounds = array<i64: 128, 8>}, {pipeline_mode = #tpu.pipeline_mode<synchronous>, transform_indices = @transform_4, window_bounds = array<i64: 128, 8>}, {pipeline_mode = #tpu.pipeline_mode<synchronous>, transform_indices = @transform_5, window_bounds = array<i64: 1, 8>}, {transform_indices = @transform_6, window_bounds = array<i64: 4168, 8>}]} {
    %get3A = arith.constant 0 : index
    %get3A_0 = arith.constant 0 : index
    %get3A_1 = arith.constant 0 : index
    %get3A_2 = vector.load %arg1[%get3A, %get3A_0, %get3A_1] : memref<2x4168x128xf32, #tpu.memory_space<vmem>>, vector<1x4168x128xf32>
    %get3A_3 = vector.shape_cast %get3A_2 : vector<1x4168x128xf32> to vector<4168x128xf32>
    %get3A_4 = arith.constant 1 : index
    %get3A_5 = arith.constant 0 : index
    %get3A_6 = arith.constant 0 : index
    %get3A_7 = vector.load %arg1[%get3A_4, %get3A_5, %get3A_6] : memref<2x4168x128xf32, #tpu.memory_space<vmem>>, vector<1x4168x128xf32>
    %get3A_8 = vector.shape_cast %get3A_7 : vector<1x4168x128xf32> to vector<4168x128xf32>
    %add3A = arith.addf %get3A_3, %get3A_8 : vector<4168x128xf32>
    %get3A_9 = arith.constant 0 : index
    %get3A_10 = arith.constant 0 : index
    %get3A_11 = vector.load %arg2[%get3A_9, %get3A_10] : memref<4168x128xf32, #tpu.memory_space<vmem>>, vector<4168x128xf32>
    %mul3A = arith.mulf %add3A, %get3A_11 : vector<4168x128xf32>
    %get3A_12 = arith.constant 0 : index
    %get3A_13 = arith.constant 0 : index
    %get3A_14 = vector.load %arg4[%get3A_12, %get3A_13] : memref<128x8xf32, #tpu.memory_space<vmem>>, vector<128x8xf32>
    %dot_general3A = arith.constant dense<0.000000e+00> : vector<4168x8xf32>
    %dot_general3A_15 = tpu.matmul %mul3A, %get3A_14, %dot_general3A {dimension_numbers = #tpu.dot_dimension_numbers<[1], [0], [0], [1], [0, 0, 1, 1], [], []>, transpose_lhs_hint = false} : vector<4168x128xf32>, vector<128x8xf32>, vector<4168x8xf32> -> vector<4168x8xf32>
    %get3A_16 = arith.constant 0 : index
    %get3A_17 = arith.constant 0 : index
    %get3A_18 = vector.load %arg3[%get3A_16, %get3A_17] : memref<4168x128xf32, #tpu.memory_space<vmem>>, vector<4168x128xf32>
    %get3A_19 = arith.constant 0 : index
    %get3A_20 = arith.constant 0 : index
    %get3A_21 = vector.load %arg5[%get3A_19, %get3A_20] : memref<128x8xf32, #tpu.memory_space<vmem>>, vector<128x8xf32>
    %dot_general3A_22 = arith.constant dense<0.000000e+00> : vector<4168x8xf32>
    %dot_general3A_23 = tpu.matmul %get3A_18, %get3A_21, %dot_general3A_22 {dimension_numbers = #tpu.dot_dimension_numbers<[1], [0], [0], [1], [0, 0, 1, 1], [], []>, transpose_lhs_hint = false} : vector<4168x128xf32>, vector<128x8xf32>, vector<4168x8xf32> -> vector<4168x8xf32>
    %add3A_24 = arith.addf %dot_general3A_15, %dot_general3A_23 : vector<4168x8xf32>
    %get3A_25 = arith.constant 0 : index
    %get3A_26 = arith.constant 0 : index
    %get3A_27 = vector.load %arg6[%get3A_25, %get3A_26] : memref<1x8xf32, #tpu.memory_space<vmem>>, vector<1x8xf32>
    %add3A_28 = vector.broadcast %get3A_27 : vector<1x8xf32> to vector<4168x8xf32>
    %add3A_29 = arith.addf %add3A_24, %add3A_28 : vector<4168x8xf32>
    %max3A = arith.constant 0.000000e+00 : f32
    %max3A_30 = vector.broadcast %max3A : f32 to vector<4168x8xf32>
    %max3A_31 = arith.maximumf %add3A_29, %max3A_30 : vector<4168x8xf32>
    %slice3A = vector.extract_strided_slice %max3A_31 {offsets = [0, 1], sizes = [4168, 7], strides = [1, 1]} : vector<4168x8xf32> to vector<4168x7xf32>
    %slice3A_32 = vector.extract_strided_slice %max3A_31 {offsets = [0, 0], sizes = [4168, 1], strides = [1, 1]} : vector<4168x8xf32> to vector<4168x1xf32>
    %concatenate3A = tpu.concatenate %slice3A, %slice3A_32 in 1 : vector<4168x7xf32>, vector<4168x1xf32> -> vector<4168x8xf32>
    %slice3A_33 = vector.extract_strided_slice %max3A_31 {offsets = [0, 7], sizes = [4168, 1], strides = [1, 1]} : vector<4168x8xf32> to vector<4168x1xf32>
    %slice3A_34 = vector.extract_strided_slice %max3A_31 {offsets = [0, 0], sizes = [4168, 7], strides = [1, 1]} : vector<4168x8xf32> to vector<4168x7xf32>
    %concatenate3A_35 = tpu.concatenate %slice3A_33, %slice3A_34 in 1 : vector<4168x1xf32>, vector<4168x7xf32> -> vector<4168x8xf32>
    %iota3A = tpu.iota {dimensions = array<i32: 1>} : vector<4168x8xi32>
    %rem3A = arith.constant 2 : i32
    %rem3A_36 = vector.broadcast %rem3A : i32 to vector<4168x8xi32>
    %rem3A_37 = arith.remsi %iota3A, %rem3A_36 : vector<4168x8xi32>
    %eq3A = arith.constant 0 : i32
    %eq3A_38 = vector.broadcast %eq3A : i32 to vector<4168x8xi32>
    %eq3A_39 = arith.cmpi eq, %rem3A_37, %eq3A_38 : vector<4168x8xi32>
    %select_n3A = arith.select %eq3A_39, %concatenate3A, %concatenate3A_35 : vector<4168x8xi1>, vector<4168x8xf32>
    %max3A_40 = arith.maximumf %max3A_31, %select_n3A : vector<4168x8xf32>
    %sub3A = arith.subf %max3A_31, %max3A_40 : vector<4168x8xf32>
    %exp3A = math.exp %sub3A : vector<4168x8xf32>
    %sub3A_41 = arith.subf %select_n3A, %max3A_40 : vector<4168x8xf32>
    %exp3A_42 = math.exp %sub3A_41 : vector<4168x8xf32>
    %add3A_43 = arith.addf %exp3A, %exp3A_42 : vector<4168x8xf32>
    %log3A = math.log %add3A_43 : vector<4168x8xf32>
    %add3A_44 = arith.addf %max3A_40, %log3A : vector<4168x8xf32>
    %sub3A_45 = arith.subf %max3A_31, %add3A_44 : vector<4168x8xf32>
    %swap3A = arith.constant 0 : index
    %swap3A_46 = arith.constant 0 : index
    %swap3A_47 = vector.load %arg7[%swap3A, %swap3A_46] : memref<4168x8xf32, #tpu.memory_space<vmem>>, vector<4168x8xf32>
    tpu.vector_store %arg7[%swap3A, %swap3A_46], %sub3A_45 {strides = array<i32>} : memref<4168x8xf32, #tpu.memory_space<vmem>>, vector<4168x8xf32>,
    return
  }
  func.func @transform_0(%arg0: i32) -> (i32, i32, i32) {
    %c0_i32 = arith.constant 0 : i32
    %c0_i32_0 = arith.constant 0 : i32
    %c0_i32_1 = arith.constant 0 : i32
    return %c0_i32, %arg0, %c0_i32_0 : i32, i32, i32
  }
  func.func @transform_1(%arg0: i32) -> (i32, i32) {
    %c0_i32 = arith.constant 0 : i32
    %c0_i32_0 = arith.constant 0 : i32
    return %arg0, %c0_i32 : i32, i32
  }
  func.func @transform_2(%arg0: i32) -> (i32, i32) {
    %c0_i32 = arith.constant 0 : i32
    %c0_i32_0 = arith.constant 0 : i32
    return %arg0, %c0_i32 : i32, i32
  }
  func.func @transform_3(%arg0: i32) -> (i32, i32) {
    %c0_i32 = arith.constant 0 : i32
    %c0_i32_0 = arith.constant 0 : i32
    %c0_i32_1 = arith.constant 0 : i32
    return %c0_i32, %c0_i32_0 : i32, i32
  }
  func.func @transform_4(%arg0: i32) -> (i32, i32) {
    %c0_i32 = arith.constant 0 : i32
    %c0_i32_0 = arith.constant 0 : i32
    %c0_i32_1 = arith.constant 0 : i32
    return %c0_i32, %c0_i32_0 : i32, i32
  }
  func.func @transform_5(%arg0: i32) -> (i32, i32) {
    %c0_i32 = arith.constant 0 : i32
    %c0_i32_0 = arith.constant 0 : i32
    %c0_i32_1 = arith.constant 0 : i32
    return %c0_i32, %c0_i32_0 : i32, i32
  }
  func.func @transform_6(%arg0: i32) -> (i32, i32) {
    %c0_i32 = arith.constant 0 : i32
    %c0_i32_0 = arith.constant 0 : i32
    return %arg0, %c0_i32 : i32, i32
  }
}

</mosaic_0001>

<sc_bundles>
// kernel: kernel.11.cloned.1.call-start
scs
__scs_entry_jumppad:
0x0: {  	(pc) =	sbr.rel $0x88, $3  }
0x1: {  	(tag) =	ssettag $0x0;
	lr =	simm.s32 $0x1  }
0x2: {  	[smem:$0x3F99] =	sst lr;
	_ =	strace $0xD0000000  }
0x3: {  	_ = 	snop  }
0x4: {  	_ = 	snop  }
0x5: {  	_ = 	snop  }
0x6: {  	_ = 	snop  }
0x7: {  	_ = 	snop  }
__scs_overlays_trampoline_lowered:
0x8: {  	[smem:$0x3FA8] =	sst s0  }
0x9: {  	[smem:$0x3FA9] =	sst s1  }
0xa: {  	[smem:$0x3FAA] =	sst s2  }
0xb: {  	[smem:$0x3FAB] =	sst s3  }
0xc: {  	[smem:$0x3FAC] =	sst s4  }
0xd: {  	[smem:$0x3FAD] =	sst s5  }
0xe: {  	[smem:$0x3FAE] =	sst s6  }
0xf: {  	[smem:$0x3FAF] =	sst s7  }
0x10: {  	[smem:$0x3FB0] =	sst s8  }
0x11: {  	[smem:$0x3FB1] =	sst s9;
	s0 =	simm.s32 @!p0 $0x0  }
0x12: {  	s1 =	sld [smem:$0x3F97];
	s0 =	simm.s32 @p0 $0x1  }
0x13: {  	[smem:$0x3FB2] =	sst s0;
	s0 =	simm.s32 @!p1 $0x0  }
0x14: {  	s2 =	sld [smem:$0x3F96];
	s0 =	simm.s32 @p1 $0x1  }
0x15: {  	[smem:$0x3FB3] =	sst s0;
	s0 =	simm.s32 @!p2 $0x0  }
0x16: {  	s3 =	sld [smem:$0x3FDB];
	s0 =	simm.s32 @p2 $0x1  }
0x17: {  	s4 =	simm.s32 $0x1BF5;
	[smem:$0x3FB5] =	sst s0  }
0x18: {  	s0 =	sld [smem:$0x3F98];
	_ =	swait.ge [sflag:s4], $0x0  }
0x19: {  	s7 =	sld [smem:$0x3F99]  }
0x1a: {  	s8 =	sadd.s32 $0xFFFFE003, lr  }
0x1b: {  	s9 =	sadd.s32 $0xFFFFFEF7, lr;
	s5 =	simm.s32 $0xFFFFFFFF;
	p2 =	slt.u32 s8, $0xFFFFF086  }
0x1c: {  	p1 =	slt.u32 s9, $0xF7A;
	s5 =	simm.s32 @!p2 $0x0  }
0x1d: {  	s5 =	simm.s32 @p1 $0x1;
	p0 =	seq.s32 s7, s2  }
0x1e: {  	s7 =	smul.u32 @!p0 $0xF7A, s2;
	p2 =	seq.s32 @!p0 s5, $0x0  }
0x1f: {  	s9 =	smul.u32 $0xF7A, s1;
	s8 =	simm.s32 @!p0 $0x1BF5;
	p2 =	por !p2, p0  }
0x20: {  	[sflag:s8] =	ssyncset.s32 @!p0 $0xFFFFF086;
	s6 =	sadd.s32 @!p0 s3, s7;
	s7 =	simm.s32 @!p0 $0x108  }
0x21: {  	s3 =	sadd.s32 s3, s9;
	s6 =	sadd.s32 @!p0 $0x88, s6;
	s7 =	simm.s32 @p2 $0x1082  }
0x22: {  	[simem:s7], [sflag:s8] =	dma.local @!p0 [hbm:s6], $0xF7A  }
0x23: {  	s9 =	sor.u32 $0xD0000000, s2;
	s6 =	simm.s32 $0x108;
	_ =	swait.ge @!p0 [sflag:s8], $0x0  }
0x24: {  	s3 =	sadd.s32 $0x88, s3;
	s6 =	simm.s32 @!p1 $0x1082;
	[sflag:s4] =	ssyncset.s32 $0xFFFFF086  }
0x25: {  	[simem:s6], [sflag:s4] =	dma.local [hbm:s3], $0xF7A  }
0x26: {  	[smem:$0x3F99] =	sst s1;
	(tag) =	ssettag s2;
	_ =	strace s9  }
0x27: {  	s1 =	sld [smem:$0x3FA9]  }
0x28: {  	s2 =	sld [smem:$0x3FAA]  }
0x29: {  	s4 =	sld [smem:$0x3FAC]  }
0x2a: {  	p0 =	seq.s32 s5, $0x0;
	s5 =	sld [smem:$0x3FAD]  }
0x2b: {  	s6 =	sld [smem:$0x3FAE]  }
0x2c: {  	s7 =	sld [smem:$0x3FAF]  }
0x2d: {  	s3 =	simm.s32 $0x108;
	s8 =	sld [smem:$0x3FB0]  }
0x2e: {  	s3 =	simm.s32 @!p0 $0x1082;
	s9 =	sld [smem:$0x3FB1]  }
0x2f: {  	lr =	sadd.s32 s0, s3;
	s0 =	sld [smem:$0x3FA8]  }
0x30: {  	s3 =	sld [smem:$0x3FAB]  }
0x31: {  	[smem:$0x3FB4] =	sst s10  }
0x32: {  	s10 =	sld [smem:$0x3FB2];
	_ =	sdelay $0x3  }
0x33: {  	p0 =	seq.s32 s10, $0x1;
	s10 =	sld [smem:$0x3FB4];
	_ =	sdelay $0x3  }
0x34: {  	[smem:$0x3FB4] =	sst s10  }
0x35: {  	s10 =	sld [smem:$0x3FB3];
	_ =	sdelay $0x3  }
0x36: {  	p1 =	seq.s32 s10, $0x1;
	s10 =	sld [smem:$0x3FB4];
	_ =	sdelay $0x3  }
0x37: {  	[smem:$0x3FB4] =	sst s10  }
0x38: {  	s10 =	sld [smem:$0x3FB5]  }
0x39: {  	_ = 	snop;
	(pc) =	sbr.ind lr, $3  }
0x3a: {  	_ = 	snop  }
0x3b: {  	_ = 	snop  }
0x3c: {  	p2 =	seq.s32 s10, $0x1;
	s10 =	sld [smem:$0x3FB4]  }
0x3d: {  	_ =	shalt  }
0x3e: {  	_ =	shalt  }
0x3f: {  	_ =	shalt  }
0x40: {  	_ =	shalt  }
0x41: {  	_ =	shalt  }
0x42: {  	_ =	shalt  }
0x43: {  	_ =	shalt  }
0x44: {  	_ =	shalt  }
0x45: {  	_ =	shalt  }
0x46: {  	_ =	shalt  }
0x47: {  	_ =	shalt  }
0x48: {  	_ =	shalt  }
0x49: {  	_ =	shalt  }
0x4a: {  	_ =	shalt  }
0x4b: {  	_ =	shalt  }
0x4c: {  	_ =	shalt  }
0x4d: {  	_ =	shalt  }
0x4e: {  	_ =	shalt  }
0x4f: {  	_ =	shalt  }
0x50: {  	_ =	shalt  }
0x51: {  	_ =	shalt  }
0x52: {  	_ =	shalt  }
0x53: {  	_ =	shalt  }
0x54: {  	_ =	shalt  }
0x55: {  	_ =	shalt  }
0x56: {  	_ =	shalt  }
0x57: {  	_ =	shalt  }
0x58: {  	_ =	shalt  }
0x59: {  	_ =	shalt  }
0x5a: {  	_ =	shalt  }
0x5b: {  	_ =	shalt  }
0x5c: {  	_ =	shalt  }
0x5d: {  	_ =	shalt  }
0x5e: {  	_ =	shalt  }
0x5f: {  	_ =	shalt  }
0x60: {  	_ =	shalt  }
0x61: {  	_ =	shalt  }
0x62: {  	_ =	shalt  }
0x63: {  	_ =	shalt  }
0x64: {  	_ =	shalt  }
0x65: {  	_ =	shalt  }
0x66: {  	_ =	shalt  }
0x67: {  	_ =	shalt  }
0x68: {  	_ =	shalt  }
0x69: {  	_ =	shalt  }
0x6a: {  	_ =	shalt  }
0x6b: {  	_ =	shalt  }
0x6c: {  	_ =	shalt  }
0x6d: {  	_ =	shalt  }
0x6e: {  	_ =	shalt  }
0x6f: {  	_ =	shalt  }
0x70: {  	_ =	shalt  }
0x71: {  	_ =	shalt  }
0x72: {  	_ =	shalt  }
0x73: {  	_ =	shalt  }
0x74: {  	_ =	shalt  }
0x75: {  	_ =	shalt  }
0x76: {  	_ =	shalt  }
0x77: {  	_ =	shalt  }
0x78: {  	_ =	shalt  }
0x79: {  	_ =	shalt  }
0x7a: {  	_ =	shalt  }
0x7b: {  	_ =	shalt  }
0x7c: {  	_ =	shalt  }
0x7d: {  	_ =	shalt  }
0x7e: {  	_ =	shalt  }
0x7f: {  	_ =	shalt  }
0x80: {  	_ =	shalt  }
0x81: {  	_ =	shalt  }
0x82: {  	_ =	shalt  }
0x83: {  	_ =	shalt  }
0x84: {  	_ =	shalt  }
0x85: {  	_ =	shalt  }
0x86: {  	_ =	shalt  }
0x87: {  	_ =	shalt  }
.Lfunc_end0:
.L_simem_size_0:
called_computation.1_lowered:
.L_overlay_start_0:
0x88: {  	s2 =	sld [smem:$0x3FD9]  }
0x89: {  	s3 =	sld [smem:$0x3FFE];
	_ =	sdelay $0x1  }
0x8a: {  	s1 =	srdreg.scid  }
0x8b: {  	s0 =	sand.u32 $0x1, s1  }
0x8c: {  	s16 =	sshll.u32 s0, $0xA;
	s2 =	sadd.s32 s3, s2  }
0x8d: {  	s2 =	sadd.s32 s2, s16  }
0x8e: {  	[smem:$0x3FC0] =	sst s2  }
0x8f: {  	_ = 	snop  }
0x90: {  	(tm) =	ssettm $0x1  }
0x91: {  	s17 =	sld [smem:$0x3FFB];
	_ =	sdelay $0x3  }
0x92: {  	_ =	strace s17  }
0x93: {  	s2 =	sld [smem:$0x3FFC];
	_ =	sdelay $0x3  }
0x94: {  	_ =	strace s2  }
0x95: {  	s2 =	sld [smem:$0x3FFD];
	_ =	sdelay $0x3  }
0x96: {  	_ =	strace s2  }
0x97: {  	_ =	strace $0x8FFFFFFF  }
0x98: {  	s18 =	sld [smem:$0x3FDB];
	_ =	sdelay $0x1  }
0x99: {  	s19 =	simm.s32 $_scs_section_size  }
0x9a: {  	s4 =	simm.s32 $_size__tile_overlayer_lowered;
	s5 =	simm.s32 $_tile_overlayer_lowered  }
0x9b: {  	s22 =	simm.s32 $0x1BFF;
	s21 =	sshll.u32 s5, $0x1;
	s2 =	sadd.s32 s19, s18  }
0x9c: {  	s6 =	simm.s32 $0x0;
	s20 =	sshll.u32 s4, $0x1;
	s4 =	sadd.s32 s21, s2  }
0x9d: {  	[timem:s6], [sflag:s22] =	dma.local [hbm:s4], s20  }
0x9e: {  	_ =	swait.ge [sflag:s22], s20  }
0x9f: {  	s3 =	ssub.s32 $0x0, s20;
	[sflag:s22] =	ssyncset.done $0x0  }
0xa0: {  	[sflag:s22] =	ssyncadd.s32 s3;
	_ =	sdelay $0x1  }
0xa1: {  	s23 =	simm.s32 $0x1B8B  }
0xa2: {  	_ =	swait.ge [sflag:s23], $0x1  }
0xa3: {  	[sflag:s23] =	ssyncset.done $0x0  }
0xa4: {  	s25 =	simm.s32 $0x1B8E;
	s24 =	sld [smem:$0x3FFE];
	[sflag:s23] =	ssyncadd.s32 $0xFFFFFFFF  }
0xa5: {  	s26 =	simm.s32 $execute0_lowered;
	[smem:$0x3FD2] =	sst s25  }
0xa6: {  	s4 =	sshll.u32 s26, $0x1;
	_ =	strace $0x80000049;
	[dreg:$0x1] =	wrdreg $0xFFFFFFFF  }
0xa7: {  	s28 =	simm.s32 $_size_execute0_lowered;
	s2 =	sadd.s32 s2, s4;
	[dreg:$0x0] =	wrdreg $0x0  }
0xa8: {  	s4 =	sshll.u32 s28, $0x1;
	[dreg:$0x2] =	wrdreg s2  }
0xa9: {  	[dreg:$0x3] =	wrdreg s4  }
0xaa: {  	[dreg:$0x4] =	wrdreg $0xC0  }
0xab: {  	_ =	task [dreg:s6], $0x5FFFF  }
0xac: {  	[dreg:$0x1] =	wrdreg $0xFFFFFFFF  }
0xad: {  	[dreg:$0x0] =	wrdreg $0x60  }
0xae: {  	[dreg:$0x2] =	wrdreg s24  }
0xaf: {  	[dreg:$0x3] =	wrdreg $0x77000  }
0xb0: {  	[dreg:$0x4] =	wrdreg $0x9  }
0xb1: {  	_ =	task.clear_ibuf [dreg:s6], $0x5FFFF;
	_ =	strace $0x90000049  }
0xb2: {  	s29 =	simm.s32 $0x9;
	_ =	strace $0x8000004B  }
0xb3: {  	_ =	swait.ge [sflag:s29], $0x1  }
0xb4: {  	[sflag:s29] =	ssyncadd.s32 $0xFFFFFFFF  }
0xb5: {  	_ =	strace $0x9000004B  }
0xb6: {  	_ =	sfence  }
0xb7: {  	s30 =	sld [smem:$0x0];
	_ =	sdelay $0x2  }
0xb8: {  	s31 =	sshll.u32 s1, $0xD;
	s1 =	sshrl.u32 s1, $0x2  }
0xb9: {  	s3 =	sand.u32 $0x4000, s31;
	s1 =	sadd.s32 s1, s30  }
0xba: {  	s0 =	sor.u32 s3, s0;
	s1 =	sshll.u32 s1, $0x11  }
0xbb: {  	s0 =	sor.u32 s1, s0  }
0xbc: {  	s0 =	sadd.s32 $0x8F2B, s0  }
0xbd: {  	[sflag:s0] =	ssyncadd.remote.s32 $0x1  }
0xbe: {  	_ =	sfence.sel $0xFFFF  }
0xbf: {  	[dreg:$0x0] =	wrdreg $0xFFFFFFFF;
	(pc) =	sbr.abs _section_cstart, $3  }
0xc0: {  	[dreg:$0x1] =	wrdreg $0xFFFFFFFF  }
0xc1: {  	_ =	task.clear_ibuf [dreg:s6], $0x2FFFF;
	_ =	strace $0x9FFFFFFF  }
0xc2: {  	(tm) =	ssettm $0x7FFFFFFF  }
0xc3: {  	_ =	shalt  }
tec
execute0_lowered:
.L_overlay_start_1:
0x0: {  	(tag) =	ssettag $0x1  }
0x1: {  	s0 =	rddreg [dreg:$0x0]  }
0x2: {  	s2 =	rddreg [dreg:$0x1]  }
0x3: {  	s4 =	srdreg.scid;
	s1 =	stileid.u32;
	s3 =	simm.s32 $0x0  }
0x4: {  	s14 =	simm.s32 $0x10;
	s15 =	simm.s32 $0x11;
	s16 =	simm.s32 $0x12  }
0x5: {  	s17 =	simm.s32 $0x13;
	s18 =	simm.s32 $0x14;
	s19 =	simm.s32 $0x15  }
0x6: {  	s20 =	simm.s32 $0x0;
	s4 =	sand.u32 $0x1, s4;
	s5 =	smul.u32 $0xC400, s1  }
0x7: {  	[smem:$0x7FF] =	sst s3;
	s7 =	sadd.s32 $0x65800, s0;
	s24 =	smul.u32 $0x18700, s1  }
0x8: {  	s11 =	sadd.s32 $0xC7400, s0;
	s13 =	sadd.s32 $0x16E900, s2;
	p0 =	seq.s32 s1, $0xF  }
0x9: {  	s6 =	smul.u32 $0x6200, s4;
	_ =	strace $0x8000004A;
	[dreg:$0x3] =	wrdreg s7  }
0xa: {  	s26 =	ssub.s32 $0x2, s4;
	s10 =	smul.u32 $0x186C00, s4;
	s25 =	sshrl.u32 s24, $0x3  }
0xb: {  	s8 =	sshrl.u32 s26, $0x1;
	s12 =	sadd.s32 s24, s2;
	s5 =	sadd.s32 s6, s5  }
0xc: {  	s8 =	ssub.s32 s26, s8;
	s6 =	sadd.s32 s24, s10;
	s30 =	sshrl.u32 s10, $0x3  }
0xd: {  	s10 =	sshrl.u32 @p0 s13, $0x3;
	s12 =	sshrl.u32 @!p0 s12, $0x3;
	s13 =	simm.s32 $0xF  }
0xe: {  	s5 =	sshrl.u32 s5, $0x3;
	s29 =	sshrl.u32 s6, $0x3;
	s31 =	sadd.s32 s11, s30  }
0xf: {  	s8 =	smax.u32 s8, $0x1;
	s9 =	sadd.s32 s5, s0;
	s5 =	sadd.s32 s25, s0  }
0x10: {  	s0 =	sadd.s32 $0x62720, s0;
	s6 =	sadd.s32 s11, s29;
	s7 =	sadd.s32 $0x2DD20, s31  }
0x11: {  	s28 =	sadd.s32 $0x34A00, s5;
	[dreg:$0x5] =	wrdreg s0;
	s0 =	sshll.u32 @!p0 s1, $0x6  }
0x12: {  	s9 =	sadd.s32 $0x3A00, s9;
	[dreg:$0x4] =	wrdreg s28;
	s11 =	sor.u32 @!p0 $0x1C16, s0  }
.LBB2_1:
0x13: {  	s0 =	simm.s32 @p0 $0x1FD6;
	s1 =	rddreg [dreg:$0x5]  }
0x14: {  	[spmem:s10], [sflag:s0] =	dma.local @p0 [hbm:s1], $0x3060  }
0x15: {  	s0 =	simm.s32 @p0 $0x16  }
0x16: {  	_ =	swait.ge @p0 [sflag:s0], $0x3060  }
0x17: {  	[sflag:s0] =	ssyncset.done @p0 $0x0  }
0x18: {  	[sflag:s0] =	ssyncadd.s32 @p0 $0xFFFFCFA0;
	s0 =	rddreg [dreg:$0x4]  }
0x19: {  	[spmem:s12], [sflag:s11] =	dma.local @!p0 [hbm:s0], $0x30E0  }
0x1a: {  	p3 =	por $0x0, $0x0;
	s1 =	simm.s32 $0x0;
	s0 =	simm.s32 @!p0 $0x16  }
0x1b: {  	s21 =	smul.u32 @!p3 $0x25, s1;
	_ =	swait.ge @!p0 [sflag:s0], $0x30E0  }
0x1c: {  	[sflag:s0] =	ssyncset.done @!p0 $0x0  }
0x1d: {  	[sflag:s0] =	ssyncadd.s32 @!p0 $0xFFFFCF20;
	s0 =	sshrl.u32 @!p3 s21, $0x8  }
0x1e: {  	p1 =	por $0x1, $0x1;
	s21 =	simm.s32 $0xFFFFFFFE;
	s22 =	ssub.s32 @!p3 $0x0, s0  }
0x1f: {  	p2 =	por $0x1, $0x1;
	s23 =	smul.u32 @!p1 $0x25, s21;
	s22 =	sand.u32 @!p3 $0xFE, s22  }
0x20: {  	p4 =	por @!p3 $0x1, $0x1;
	s25 =	simm.s32 @!p2 $0xFFFFFFFC;
	s22 =	sshrl.u32 @!p3 s22, $0x1  }
0x21: {  	s26 =	simm.s32 @!p3 $0x80;
	s23 =	sshrl.u32 @!p1 s23, $0x8;
	s0 =	sadd.s32 @!p3 s0, s22  }
0x22: {  	s25 =	sand.u32 @!p2 $0xFF, s25;
	s24 =	ssub.s32 @!p1 $0xFFFFFFFE, s23;
	s0 =	sand.u32 @!p3 $0xFC, s0  }
0x23: {  	p4 =	por p4, p3;
	s24 =	sand.u32 @!p1 $0xFE, s24;
	s0 =	sshrl.u32 @!p3 s0, $0x2  }
0x24: {  	[bflag:$0x0] =	sbarrier.arrive $0xFFFF;
	s24 =	sshrl.u32 @!p1 s24, $0x1;
	s0 =	smul.u32 @!p3 $0x7, s0  }
0x25: {  	s21 =	simm.s32 $0x1;
	s23 =	sadd.s32 @!p1 s23, s24;
	s24 =	smul.u32 @!p2 $0x25, s25  }
0x26: {  	s22 =	simm.s32 @!p3 $0xC4000;
	s23 =	sand.u32 @!p1 $0xFC, s23;
	s0 =	ssub.s32 @!p3 $0x0, s0  }
0x27: {  	s23 =	sshrl.u32 @!p1 s23, $0x2;
	s24 =	sshrl.u32 @!p2 s24, $0x8;
	s0 =	sand.u32 @!p3 $0xFF, s0  }
0x28: {  	s23 =	smul.u32 @!p1 $0x7, s23;
	s28 =	ssub.s32 @!p2 $0xFFFFFFFC, s24;
	s25 =	sadd.s32 @!p3 $0x1, s0  }
0x29: {  	s29 =	sadd.s32 @!p4 $0xF, s0;
	s0 =	sshll.u32 @!p3 s0, $0x8;
	s28 =	sand.u32 @!p2 $0xFE, s28  }
0x2a: {  	_ =	swait.ge @!p4 [sflag:s29], $0x1000;
	s23 =	ssub.s32 @!p1 $0xFFFFFFFE, s23;
	s28 =	sshrl.u32 @!p2 s28, $0x1  }
0x2b: {  	[sflag:s29] =	ssyncset.done @!p4 $0x0;
	s23 =	sand.u32 @!p1 $0xFF, s23;
	s24 =	sadd.s32 @!p2 s24, s28  }
0x2c: {  	[sflag:s29] =	ssyncadd.s32 @!p4 $0xFFFFF000;
	s28 =	sadd.s32 @!p1 $0x1, s23;
	s24 =	sshrl.u32 @!p2 s24, $0x2  }
0x2d: {  	[tilespmem:s0], [sflag:s25] =	stream.strided.gather @!p3 [hbm4b:s9+s26], $0x100, s22, s26, $0x38;
	[tilespmem:$0x1FDC0] =	vst v63  }
0x2e: {  	s29 =	sshll.u32 @!p1 s23, $0x8;
	s0 =	sshll.u32 @!p1 s23, $0xC;
	s22 =	smul.u32 @!p2 $0x7, s24  }
0x2f: {  	s30 =	sor.u32 @!p1 $0x8, s23;
	_ =	swait.ge @!p1 [sflag:s28], $0x100;
	s25 =	sor.u32 @!p1 $0x700, s0  }
0x30: {  	[sflag:s28] =	ssyncset.done @!p1 $0x0;
	s26 =	rddreg [dreg:$0x3];
	s0 =	ssub.s32 @!p2 $0xFFFFFFFC, s22  }
0x31: {  	s22 =	sadd.s32 $0x10, s9;
	[sflag:s28] =	ssyncadd.s32 @!p1 $0xFFFFFF00;
	s24 =	sand.u32 @!p2 $0xFF, s0  }
0x32: {  	s0 =	simm.s32 @!p1 $0x80;
	s28 =	sor.u32 @!p2 $0x8, s24;
	s1 =	sshll.u32 @!p2 s24, $0x8  }
0x33: {  	s23 =	sadd.s32 @!p2 $0xF, s24;
	s31 =	sshll.u32 @!p2 s24, $0xC;
	s24 =	sor.u32 @!p2 $0x80, s1  }
.LBB2_2:
0x34: {  	[tilespmem:s25], [sflag:s30] =	stream.indirect.gather @!p1 [hbm4b:s26+s0], $0x20, s29, s0, $0xb8;
	[tilespmem:$0x1FDC0] =	vst v63  }
0x35: {  	p4 =	sgt.u32 s21, $0xC3;
	s0 =	sor.u32 @!p2 $0x700, s31  }
0x36: {  	s25 =	smov.u32 s21;
	p6 =	por p2, p2;
	s1 =	smul.u32 @!p4 $0x25, s21  }
0x37: {  	_ =	swait.ge @!p2 [sflag:s28], $0x1000;
	p5 =	slt.u32 @!p4 s21, $0x7;
	s26 =	sadd.s32 $0xFFFFFFFE, s25  }
0x38: {  	s30 =	simm.s32 @!p6 $0x80;
	[sflag:s28] =	ssyncset.done @!p2 $0x0;
	s1 =	sshrl.u32 @!p4 s1, $0x8  }
0x39: {  	p1 =	sgt.u32 s26, $0xC3;
	[sflag:s28] =	ssyncadd.s32 @!p2 $0xFFFFF000;
	s28 =	ssub.s32 @!p4 s25, s1  }
0x3a: {  	[spmem:s2] =	stream.indirect.scatter.add.f32 @!p6 [tilespmem:s0], [sflag:s23], $0x20, s24, s30, $0xb8;
	[tilespmem:$0x1FDC0] =	vst v63  }
0x3b: {  	s21 =	sadd.s32 $0x1, s21;
	s29 =	smul.u32 @!p1 $0x25, s26;
	s28 =	sand.u32 @!p4 $0xFE, s28  }
0x3c: {  	s5 =	simm.s32 @!p4 $0x80;
	p2 =	slt.u32 s25, $0x4;
	s28 =	sshrl.u32 @!p4 s28, $0x1  }
0x3d: {  	s3 =	sadd.s32 @!p2 $0xFFFFFFFC, s25;
	s29 =	sshrl.u32 @!p1 s29, $0x8;
	s1 =	sadd.s32 @!p4 s1, s28  }
0x3e: {  	s4 =	sand.u32 @!p2 $0xFF, s3;
	s31 =	ssub.s32 @!p1 s26, s29;
	s1 =	sand.u32 @!p4 $0xFC, s1  }
0x3f: {  	s4 =	smul.u32 @!p2 $0x25, s4;
	s31 =	sand.u32 @!p1 $0xFE, s31;
	s1 =	sshrl.u32 @!p4 s1, $0x2  }
0x40: {  	p3 =	sne.s32 s21, $0xC8;
	s31 =	sshrl.u32 @!p1 s31, $0x1;
	s1 =	smul.u32 @!p4 $0x7, s1  }
0x41: {  	p5 =	por p5, p4;
	s4 =	sshrl.u32 @!p2 s4, $0x8;
	s29 =	sadd.s32 @!p1 s29, s31  }
0x42: {  	s24 =	ssub.s32 @!p2 s3, s4;
	s1 =	ssub.s32 @!p4 s25, s1;
	s25 =	sand.u32 @!p1 $0xFC, s29  }
0x43: {  	s24 =	sand.u32 @!p2 $0xFE, s24;
	s1 =	sand.u32 @!p4 $0xFF, s1;
	s25 =	sshrl.u32 @!p1 s25, $0x2  }
0x44: {  	s24 =	sshrl.u32 @!p2 s24, $0x1;
	s23 =	smul.u32 @!p1 $0x7, s25;
	s25 =	sadd.s32 @!p5 $0xF, s1  }
0x45: {  	s28 =	simm.s32 @!p4 $0xC4000;
	s4 =	sadd.s32 @!p2 s4, s24;
	_ =	swait.ge @!p5 [sflag:s25], $0x1000  }
0x46: {  	s0 =	sadd.s32 @!p4 $0x1, s1;
	s23 =	ssub.s32 @!p1 s26, s23;
	[sflag:s25] =	ssyncset.done @!p5 $0x0  }
0x47: {  	s1 =	sshll.u32 @!p4 s1, $0x8;
	s23 =	sand.u32 @!p1 $0xFF, s23;
	[sflag:s25] =	ssyncadd.s32 @!p5 $0xFFFFF000  }
0x48: {  	[tilespmem:s1], [sflag:s0] =	stream.strided.gather @!p4 [hbm4b:s22+s5], $0x100, s28, s5, $0x38;
	[tilespmem:$0x1FDC0] =	vst v63  }
0x49: {  	s4 =	sshrl.u32 @!p2 s4, $0x2;
	s24 =	sadd.s32 @!p1 $0x1, s23;
	s0 =	sshll.u32 @!p1 s23, $0xC  }
0x4a: {  	s1 =	smul.u32 @!p2 $0x7, s4;
	s29 =	sshll.u32 @!p1 s23, $0x8;
	s30 =	sor.u32 @!p1 $0x8, s23  }
.Ltmp0:
0x4b: {  	s22 =	sadd.s32 $0x10, s22;
	_ =	swait.ge @!p1 [sflag:s24], $0x100;
	(pc) =	sbr.rel @p3 .LBB2_2-.Ltmp0, $4  }
0x4c: {  	s25 =	sor.u32 @!p1 $0x700, s0;
	[sflag:s24] =	ssyncset.done @!p1 $0x0;
	s0 =	ssub.s32 @!p2 s3, s1  }
0x4d: {  	s26 =	rddreg [dreg:$0x3];
	[sflag:s24] =	ssyncadd.s32 @!p1 $0xFFFFFF00;
	s1 =	sand.u32 @!p2 $0xFF, s0  }
0x4e: {  	s0 =	simm.s32 @!p1 $0x80;
	s28 =	sor.u32 @!p2 $0x8, s1;
	s3 =	sshll.u32 @!p2 s1, $0x8  }
0x4f: {  	s23 =	sadd.s32 @!p2 $0xF, s1;
	s31 =	sshll.u32 @!p2 s1, $0xC;
	s24 =	sor.u32 @!p2 $0x80, s3  }
0x50: {  	[tilespmem:s25], [sflag:s30] =	stream.indirect.gather @!p1 [hbm4b:s26+s0], $0x20, s29, s0, $0xb8;
	[tilespmem:$0x1FDC0] =	vst v63  }
0x51: {  	_ =	swait.ge @!p2 [sflag:s28], $0x1000  }
0x52: {  	p1 =	por p2, p2;
	[sflag:s28] =	ssyncset.done @!p2 $0x0  }
0x53: {  	s0 =	sor.u32 @!p2 $0x700, s31;
	s1 =	simm.s32 @!p1 $0x80;
	[sflag:s28] =	ssyncadd.s32 @!p2 $0xFFFFF000  }
0x54: {  	[spmem:s2] =	stream.indirect.scatter.add.f32 @!p1 [tilespmem:s0], [sflag:s23], $0x20, s24, s1, $0xb8;
	[tilespmem:$0x1FDC0] =	vst v63  }
0x55: {  	_ =	swait.ge [sflag:s13], $0x1000  }
0x56: {  	[sflag:s13] =	ssyncset.done $0x0  }
0x57: {  	[sflag:s13] =	ssyncadd.s32 $0xFFFFF000  }
0x58: {  	_ =	swait.ge [sflag:s14], $0x1000  }
0x59: {  	[sflag:s14] =	ssyncset.done $0x0  }
0x5a: {  	[sflag:s14] =	ssyncadd.s32 $0xFFFFF000  }
0x5b: {  	_ =	swait.ge [sflag:s15], $0x1000  }
0x5c: {  	[sflag:s15] =	ssyncset.done $0x0  }
0x5d: {  	[sflag:s15] =	ssyncadd.s32 $0xFFFFF000  }
0x5e: {  	_ =	swait.ge [sflag:s16], $0x1000  }
0x5f: {  	[sflag:s16] =	ssyncset.done $0x0  }
0x60: {  	[sflag:s16] =	ssyncadd.s32 $0xFFFFF000  }
0x61: {  	_ =	swait.ge [sflag:s17], $0x1000  }
0x62: {  	[sflag:s17] =	ssyncset.done $0x0  }
0x63: {  	[sflag:s17] =	ssyncadd.s32 $0xFFFFF000  }
0x64: {  	_ =	swait.ge [sflag:s18], $0x1000  }
0x65: {  	[sflag:s18] =	ssyncset.done $0x0  }
0x66: {  	[sflag:s18] =	ssyncadd.s32 $0xFFFFF000  }
0x67: {  	_ =	swait.ge [sflag:s19], $0x1000  }
0x68: {  	[sflag:s19] =	ssyncset.done $0x0  }
0x69: {  	[sflag:s19] =	ssyncadd.s32 $0xFFFFF000  }
0x6a: {  	s0 =	simm.s32 @p0 $0x1FD6;
	[bflag:$0x0] =	sbarrier.arrive $0xFFFF  }
0x6b: {  	[hbm:s7], [sflag:s0] =	dma.local @p0 [spmem:s10], $0x3060  }
0x6c: {  	s0 =	simm.s32 @p0 $0x16  }
0x6d: {  	s20 =	sadd.s32 $0x1, s20;
	_ =	swait.ge @p0 [sflag:s0], $0x3060  }
0x6e: {  	p1 =	sne.s32 s20, s8;
	[sflag:s0] =	ssyncset.done @p0 $0x0  }
.Ltmp1:
0x6f: {  	[sflag:s0] =	ssyncadd.s32 @p0 $0xFFFFCFA0;
	s0 =	simm.s32 @!p0 $0x16;
	(pc) =	sbr.rel @p1 .LBB2_1-.Ltmp1, $4  }
0x70: {  	[hbm:s6], [sflag:s11] =	dma.local @!p0 [spmem:s12], $0x30E0  }
0x71: {  	_ =	swait.ge @!p0 [sflag:s0], $0x30E0  }
0x72: {  	[sflag:s0] =	ssyncset.done @!p0 $0x0  }
0x73: {  	[sflag:s0] =	ssyncadd.s32 @!p0 $0xFFFFCF20  }
0x74: {  	_ =	sfence.sel $0x180000  }
0x75: {  	[bflag:$0x0] =	sbarrier.arrive $0xFFFF  }
0x76: {  	_ =	strace $0x9000004A  }
0x77: {  	s0 =	stileid.u32;
	[bflag:$0x2] =	sbarrier.arrive $0xFFFF  }
0x78: {  	p0 =	sne.s32 s0, $0x0;
	s0 =	rddreg [dreg:$0x2]  }
0x79: {  	s0 =	sadd.s32 @!p0 $0x100000, s0  }
0x7a: {  	[sflag:s0] =	ssyncadd.tile.s32 @!p0 $0x1;
	_ =	shalt  }
.Lfunc_end2:
_tile_overlayer_lowered:
.L_overlay_start_2:
0x7b: {  	(tag) =	ssettag $0x2  }
0x7c: {  	s0 =	rddreg [dreg:$0x0];
	s2 =	stileid.u32  }
0x7d: {  	s1 =	rddreg [dreg:$0x1];
	p0 =	sne.s32 s2, $0x0  }
0x7e: {  	s3 =	rddreg [dreg:$0x2];
	[bflag:$0x3] =	sbarrier.arrive $0xFFFF;
	s2 =	simm.s32 @!p0 $0x1C16  }
0x7f: {  	[timem:s3], [sflag:s2] =	dma.local @!p0 [hbm:s0], s1  }
0x80: {  	s0 =	simm.s32 @!p0 $0x16  }
0x81: {  	_ =	swait.ge @!p0 [sflag:s0], s1  }
0x82: {  	s1 =	ssub.s32 @!p0 $0x0, s1;
	[sflag:s0] =	ssyncset.done @!p0 $0x0  }
0x83: {  	[sflag:s0] =	ssyncadd.s32 @!p0 s1  }
0x84: {  	[bflag:$0x3] =	sbarrier.arrive $0xFFFF  }
0x85: {  	_ =	shalt  }

// kernel: kernel.14.cloned.1.call-start
scs
__scs_entry_jumppad:
0x0: {  	(pc) =	sbr.rel $0x88, $3  }
0x1: {  	(tag) =	ssettag $0x0;
	lr =	simm.s32 $0x1  }
0x2: {  	[smem:$0x3F99] =	sst lr;
	_ =	strace $0xD0000000  }
0x3: {  	_ = 	snop  }
0x4: {  	_ = 	snop  }
0x5: {  	_ = 	snop  }
0x6: {  	_ = 	snop  }
0x7: {  	_ = 	snop  }
__scs_overlays_trampoline_lowered:
0x8: {  	[smem:$0x3FA8] =	sst s0  }
0x9: {  	[smem:$0x3FA9] =	sst s1  }
0xa: {  	[smem:$0x3FAA] =	sst s2  }
0xb: {  	[smem:$0x3FAB] =	sst s3  }
0xc: {  	[smem:$0x3FAC] =	sst s4  }
0xd: {  	[smem:$0x3FAD] =	sst s5  }
0xe: {  	[smem:$0x3FAE] =	sst s6  }
0xf: {  	[smem:$0x3FAF] =	sst s7  }
0x10: {  	[smem:$0x3FB0] =	sst s8  }
0x11: {  	[smem:$0x3FB1] =	sst s9;
	s0 =	simm.s32 @!p0 $0x0  }
0x12: {  	s1 =	sld [smem:$0x3F97];
	s0 =	simm.s32 @p0 $0x1  }
0x13: {  	[smem:$0x3FB2] =	sst s0;
	s0 =	simm.s32 @!p1 $0x0  }
0x14: {  	s2 =	sld [smem:$0x3F96];
	s0 =	simm.s32 @p1 $0x1  }
0x15: {  	[smem:$0x3FB3] =	sst s0;
	s0 =	simm.s32 @!p2 $0x0  }
0x16: {  	s3 =	sld [smem:$0x3FDB];
	s0 =	simm.s32 @p2 $0x1  }
0x17: {  	s4 =	simm.s32 $0x1BF5;
	[smem:$0x3FB5] =	sst s0  }
0x18: {  	s0 =	sld [smem:$0x3F98];
	_ =	swait.ge [sflag:s4], $0x0  }
0x19: {  	s7 =	sld [smem:$0x3F99]  }
0x1a: {  	s8 =	sadd.s32 $0xFFFFE003, lr  }
0x1b: {  	s9 =	sadd.s32 $0xFFFFFEF7, lr;
	s5 =	simm.s32 $0xFFFFFFFF;
	p2 =	slt.u32 s8, $0xFFFFF086  }
0x1c: {  	p1 =	slt.u32 s9, $0xF7A;
	s5 =	simm.s32 @!p2 $0x0  }
0x1d: {  	s5 =	simm.s32 @p1 $0x1;
	p0 =	seq.s32 s7, s2  }
0x1e: {  	s7 =	smul.u32 @!p0 $0xF7A, s2;
	p2 =	seq.s32 @!p0 s5, $0x0  }
0x1f: {  	s9 =	smul.u32 $0xF7A, s1;
	s8 =	simm.s32 @!p0 $0x1BF5;
	p2 =	por !p2, p0  }
0x20: {  	[sflag:s8] =	ssyncset.s32 @!p0 $0xFFFFF086;
	s6 =	sadd.s32 @!p0 s3, s7;
	s7 =	simm.s32 @!p0 $0x108  }
0x21: {  	s3 =	sadd.s32 s3, s9;
	s6 =	sadd.s32 @!p0 $0x88, s6;
	s7 =	simm.s32 @p2 $0x1082  }
0x22: {  	[simem:s7], [sflag:s8] =	dma.local @!p0 [hbm:s6], $0xF7A  }
0x23: {  	s9 =	sor.u32 $0xD0000000, s2;
	s6 =	simm.s32 $0x108;
	_ =	swait.ge @!p0 [sflag:s8], $0x0  }
0x24: {  	s3 =	sadd.s32 $0x88, s3;
	s6 =	simm.s32 @!p1 $0x1082;
	[sflag:s4] =	ssyncset.s32 $0xFFFFF086  }
0x25: {  	[simem:s6], [sflag:s4] =	dma.local [hbm:s3], $0xF7A  }
0x26: {  	[smem:$0x3F99] =	sst s1;
	(tag) =	ssettag s2;
	_ =	strace s9  }
0x27: {  	s1 =	sld [smem:$0x3FA9]  }
0x28: {  	s2 =	sld [smem:$0x3FAA]  }
0x29: {  	s4 =	sld [smem:$0x3FAC]  }
0x2a: {  	p0 =	seq.s32 s5, $0x0;
	s5 =	sld [smem:$0x3FAD]  }
0x2b: {  	s6 =	sld [smem:$0x3FAE]  }
0x2c: {  	s7 =	sld [smem:$0x3FAF]  }
0x2d: {  	s3 =	simm.s32 $0x108;
	s8 =	sld [smem:$0x3FB0]  }
0x2e: {  	s3 =	simm.s32 @!p0 $0x1082;
	s9 =	sld [smem:$0x3FB1]  }
0x2f: {  	lr =	sadd.s32 s0, s3;
	s0 =	sld [smem:$0x3FA8]  }
0x30: {  	s3 =	sld [smem:$0x3FAB]  }
0x31: {  	[smem:$0x3FB4] =	sst s10  }
0x32: {  	s10 =	sld [smem:$0x3FB2];
	_ =	sdelay $0x3  }
0x33: {  	p0 =	seq.s32 s10, $0x1;
	s10 =	sld [smem:$0x3FB4];
	_ =	sdelay $0x3  }
0x34: {  	[smem:$0x3FB4] =	sst s10  }
0x35: {  	s10 =	sld [smem:$0x3FB3];
	_ =	sdelay $0x3  }
0x36: {  	p1 =	seq.s32 s10, $0x1;
	s10 =	sld [smem:$0x3FB4];
	_ =	sdelay $0x3  }
0x37: {  	[smem:$0x3FB4] =	sst s10  }
0x38: {  	s10 =	sld [smem:$0x3FB5]  }
0x39: {  	_ = 	snop;
	(pc) =	sbr.ind lr, $3  }
0x3a: {  	_ = 	snop  }
0x3b: {  	_ = 	snop  }
0x3c: {  	p2 =	seq.s32 s10, $0x1;
	s10 =	sld [smem:$0x3FB4]  }
0x3d: {  	_ =	shalt  }
0x3e: {  	_ =	shalt  }
0x3f: {  	_ =	shalt  }
0x40: {  	_ =	shalt  }
0x41: {  	_ =	shalt  }
0x42: {  	_ =	shalt  }
0x43: {  	_ =	shalt  }
0x44: {  	_ =	shalt  }
0x45: {  	_ =	shalt  }
0x46: {  	_ =	shalt  }
0x47: {  	_ =	shalt  }
0x48: {  	_ =	shalt  }
0x49: {  	_ =	shalt  }
0x4a: {  	_ =	shalt  }
0x4b: {  	_ =	shalt  }
0x4c: {  	_ =	shalt  }
0x4d: {  	_ =	shalt  }
0x4e: {  	_ =	shalt  }
0x4f: {  	_ =	shalt  }
0x50: {  	_ =	shalt  }
0x51: {  	_ =	shalt  }
0x52: {  	_ =	shalt  }
0x53: {  	_ =	shalt  }
0x54: {  	_ =	shalt  }
0x55: {  	_ =	shalt  }
0x56: {  	_ =	shalt  }
0x57: {  	_ =	shalt  }
0x58: {  	_ =	shalt  }
0x59: {  	_ =	shalt  }
0x5a: {  	_ =	shalt  }
0x5b: {  	_ =	shalt  }
0x5c: {  	_ =	shalt  }
0x5d: {  	_ =	shalt  }
0x5e: {  	_ =	shalt  }
0x5f: {  	_ =	shalt  }
0x60: {  	_ =	shalt  }
0x61: {  	_ =	shalt  }
0x62: {  	_ =	shalt  }
0x63: {  	_ =	shalt  }
0x64: {  	_ =	shalt  }
0x65: {  	_ =	shalt  }
0x66: {  	_ =	shalt  }
0x67: {  	_ =	shalt  }
0x68: {  	_ =	shalt  }
0x69: {  	_ =	shalt  }
0x6a: {  	_ =	shalt  }
0x6b: {  	_ =	shalt  }
0x6c: {  	_ =	shalt  }
0x6d: {  	_ =	shalt  }
0x6e: {  	_ =	shalt  }
0x6f: {  	_ =	shalt  }
0x70: {  	_ =	shalt  }
0x71: {  	_ =	shalt  }
0x72: {  	_ =	shalt  }
0x73: {  	_ =	shalt  }
0x74: {  	_ =	shalt  }
0x75: {  	_ =	shalt  }
0x76: {  	_ =	shalt  }
0x77: {  	_ =	shalt  }
0x78: {  	_ =	shalt  }
0x79: {  	_ =	shalt  }
0x7a: {  	_ =	shalt  }
0x7b: {  	_ =	shalt  }
0x7c: {  	_ =	shalt  }
0x7d: {  	_ =	shalt  }
0x7e: {  	_ =	shalt  }
0x7f: {  	_ =	shalt  }
0x80: {  	_ =	shalt  }
0x81: {  	_ =	shalt  }
0x82: {  	_ =	shalt  }
0x83: {  	_ =	shalt  }
0x84: {  	_ =	shalt  }
0x85: {  	_ =	shalt  }
0x86: {  	_ =	shalt  }
0x87: {  	_ =	shalt  }
.Lfunc_end0:
.L_simem_size_0:
called_computation.2_lowered:
.L_overlay_start_0:
0x88: {  	s2 =	sld [smem:$0x3FD9]  }
0x89: {  	s3 =	sld [smem:$0x3FFE];
	_ =	sdelay $0x1  }
0x8a: {  	s1 =	srdreg.scid  }
0x8b: {  	s0 =	sand.u32 $0x1, s1  }
0x8c: {  	s16 =	sshll.u32 s0, $0xA;
	s2 =	sadd.s32 s3, s2  }
0x8d: {  	s2 =	sadd.s32 s2, s16  }
0x8e: {  	[smem:$0x3FC0] =	sst s2  }
0x8f: {  	_ = 	snop  }
0x90: {  	(tm) =	ssettm $0x1  }
0x91: {  	s17 =	sld [smem:$0x3FFB];
	_ =	sdelay $0x3  }
0x92: {  	_ =	strace s17  }
0x93: {  	s2 =	sld [smem:$0x3FFC];
	_ =	sdelay $0x3  }
0x94: {  	_ =	strace s2  }
0x95: {  	s2 =	sld [smem:$0x3FFD];
	_ =	sdelay $0x3  }
0x96: {  	_ =	strace s2  }
0x97: {  	_ =	strace $0x8FFFFFFF  }
0x98: {  	s18 =	sld [smem:$0x3FDB];
	_ =	sdelay $0x1  }
0x99: {  	s19 =	simm.s32 $_scs_section_size  }
0x9a: {  	s4 =	simm.s32 $_size__tile_overlayer_lowered;
	s5 =	simm.s32 $_tile_overlayer_lowered  }
0x9b: {  	s22 =	simm.s32 $0x1BFF;
	s21 =	sshll.u32 s5, $0x1;
	s2 =	sadd.s32 s19, s18  }
0x9c: {  	s6 =	simm.s32 $0x0;
	s20 =	sshll.u32 s4, $0x1;
	s4 =	sadd.s32 s21, s2  }
0x9d: {  	[timem:s6], [sflag:s22] =	dma.local [hbm:s4], s20  }
0x9e: {  	_ =	swait.ge [sflag:s22], s20  }
0x9f: {  	s3 =	ssub.s32 $0x0, s20;
	[sflag:s22] =	ssyncset.done $0x0  }
0xa0: {  	[sflag:s22] =	ssyncadd.s32 s3;
	_ =	sdelay $0x1  }
0xa1: {  	s23 =	simm.s32 $0x1B8B  }
0xa2: {  	_ =	swait.ge [sflag:s23], $0x1  }
0xa3: {  	[sflag:s23] =	ssyncset.done $0x0  }
0xa4: {  	s25 =	simm.s32 $0x1B8E;
	s24 =	sld [smem:$0x3FFE];
	[sflag:s23] =	ssyncadd.s32 $0xFFFFFFFF  }
0xa5: {  	s26 =	simm.s32 $execute0_lowered;
	[smem:$0x3FD2] =	sst s25  }
0xa6: {  	s4 =	sshll.u32 s26, $0x1;
	_ =	strace $0x8000004C;
	[dreg:$0x1] =	wrdreg $0xFFFFFFFF  }
0xa7: {  	s28 =	simm.s32 $_size_execute0_lowered;
	s2 =	sadd.s32 s2, s4;
	[dreg:$0x0] =	wrdreg $0x0  }
0xa8: {  	s4 =	sshll.u32 s28, $0x1;
	[dreg:$0x2] =	wrdreg s2  }
0xa9: {  	[dreg:$0x3] =	wrdreg s4  }
0xaa: {  	[dreg:$0x4] =	wrdreg $0xC0  }
0xab: {  	_ =	task [dreg:s6], $0x5FFFF  }
0xac: {  	[dreg:$0x1] =	wrdreg $0xFFFFFFFF  }
0xad: {  	[dreg:$0x0] =	wrdreg $0x60  }
0xae: {  	[dreg:$0x2] =	wrdreg s24  }
0xaf: {  	[dreg:$0x3] =	wrdreg $0x77000  }
0xb0: {  	[dreg:$0x4] =	wrdreg $0x9  }
0xb1: {  	_ =	task.clear_ibuf [dreg:s6], $0x5FFFF;
	_ =	strace $0x9000004C  }
0xb2: {  	s29 =	simm.s32 $0x9;
	_ =	strace $0x8000004E  }
0xb3: {  	_ =	swait.ge [sflag:s29], $0x1  }
0xb4: {  	[sflag:s29] =	ssyncadd.s32 $0xFFFFFFFF  }
0xb5: {  	_ =	strace $0x9000004E  }
0xb6: {  	_ =	sfence  }
0xb7: {  	s30 =	sld [smem:$0x0];
	_ =	sdelay $0x2  }
0xb8: {  	s31 =	sshll.u32 s1, $0xD;
	s1 =	sshrl.u32 s1, $0x2  }
0xb9: {  	s3 =	sand.u32 $0x4000, s31;
	s1 =	sadd.s32 s1, s30  }
0xba: {  	s0 =	sor.u32 s3, s0;
	s1 =	sshll.u32 s1, $0x11  }
0xbb: {  	s0 =	sor.u32 s1, s0  }
0xbc: {  	s0 =	sadd.s32 $0x8F2B, s0  }
0xbd: {  	[sflag:s0] =	ssyncadd.remote.s32 $0x1  }
0xbe: {  	_ =	sfence.sel $0xFFFF  }
0xbf: {  	[dreg:$0x0] =	wrdreg $0xFFFFFFFF;
	(pc) =	sbr.abs _section_cstart, $3  }
0xc0: {  	[dreg:$0x1] =	wrdreg $0xFFFFFFFF  }
0xc1: {  	_ =	task.clear_ibuf [dreg:s6], $0x2FFFF;
	_ =	strace $0x9FFFFFFF  }
0xc2: {  	(tm) =	ssettm $0x7FFFFFFF  }
0xc3: {  	_ =	shalt  }
tec
execute0_lowered:
.L_overlay_start_1:
0x0: {  	(tag) =	ssettag $0x1  }
0x1: {  	s0 =	rddreg [dreg:$0x0]  }
0x2: {  	s2 =	rddreg [dreg:$0x1]  }
0x3: {  	s4 =	srdreg.scid;
	s1 =	stileid.u32;
	s3 =	simm.s32 $0x0  }
0x4: {  	s14 =	simm.s32 $0x10;
	s15 =	simm.s32 $0x11;
	s16 =	simm.s32 $0x12  }
0x5: {  	s17 =	simm.s32 $0x13;
	s18 =	simm.s32 $0x14;
	s19 =	simm.s32 $0x15  }
0x6: {  	s20 =	simm.s32 $0x0;
	s4 =	sand.u32 $0x1, s4;
	s5 =	smul.u32 $0xC400, s1  }
0x7: {  	[smem:$0x7FF] =	sst s3;
	s7 =	sadd.s32 $0x65800, s0;
	s24 =	smul.u32 $0x18700, s1  }
0x8: {  	s11 =	sadd.s32 $0x96600, s0;
	s13 =	sadd.s32 $0x16E900, s2;
	p0 =	seq.s32 s1, $0xF  }
0x9: {  	s6 =	smul.u32 $0x6200, s4;
	_ =	strace $0x8000004D;
	[dreg:$0x3] =	wrdreg s7  }
0xa: {  	s26 =	ssub.s32 $0x2, s4;
	s10 =	smul.u32 $0x186C00, s4;
	s25 =	sshrl.u32 s24, $0x3  }
0xb: {  	s8 =	sshrl.u32 s26, $0x1;
	s12 =	sadd.s32 s24, s2;
	s5 =	sadd.s32 s6, s5  }
0xc: {  	s8 =	ssub.s32 s26, s8;
	s6 =	sadd.s32 s24, s10;
	s30 =	sshrl.u32 s10, $0x3  }
0xd: {  	s10 =	sshrl.u32 @p0 s13, $0x3;
	s12 =	sshrl.u32 @!p0 s12, $0x3;
	s13 =	simm.s32 $0xF  }
0xe: {  	s5 =	sshrl.u32 s5, $0x3;
	s29 =	sshrl.u32 s6, $0x3;
	s31 =	sadd.s32 s11, s30  }
0xf: {  	s8 =	smax.u32 s8, $0x1;
	s9 =	sadd.s32 s5, s0;
	s5 =	sadd.s32 s25, s0  }
0x10: {  	s0 =	sadd.s32 $0x62720, s0;
	s6 =	sadd.s32 s11, s29;
	s7 =	sadd.s32 $0x2DD20, s31  }
0x11: {  	s28 =	sadd.s32 $0x34A00, s5;
	[dreg:$0x5] =	wrdreg s0;
	s0 =	sshll.u32 @!p0 s1, $0x6  }
0x12: {  	s9 =	sadd.s32 $0x3A00, s9;
	[dreg:$0x4] =	wrdreg s28;
	s11 =	sor.u32 @!p0 $0x1C16, s0  }
.LBB2_1:
0x13: {  	s0 =	simm.s32 @p0 $0x1FD6;
	s1 =	rddreg [dreg:$0x5]  }
0x14: {  	[spmem:s10], [sflag:s0] =	dma.local @p0 [hbm:s1], $0x3060  }
0x15: {  	s0 =	simm.s32 @p0 $0x16  }
0x16: {  	_ =	swait.ge @p0 [sflag:s0], $0x3060  }
0x17: {  	[sflag:s0] =	ssyncset.done @p0 $0x0  }
0x18: {  	[sflag:s0] =	ssyncadd.s32 @p0 $0xFFFFCFA0;
	s0 =	rddreg [dreg:$0x4]  }
0x19: {  	[spmem:s12], [sflag:s11] =	dma.local @!p0 [hbm:s0], $0x30E0  }
0x1a: {  	p3 =	por $0x0, $0x0;
	s1 =	simm.s32 $0x0;
	s0 =	simm.s32 @!p0 $0x16  }
0x1b: {  	s21 =	smul.u32 @!p3 $0x25, s1;
	_ =	swait.ge @!p0 [sflag:s0], $0x30E0  }
0x1c: {  	[sflag:s0] =	ssyncset.done @!p0 $0x0  }
0x1d: {  	[sflag:s0] =	ssyncadd.s32 @!p0 $0xFFFFCF20;
	s0 =	sshrl.u32 @!p3 s21, $0x8  }
0x1e: {  	p1 =	por $0x1, $0x1;
	s21 =	simm.s32 $0xFFFFFFFE;
	s22 =	ssub.s32 @!p3 $0x0, s0  }
0x1f: {  	p2 =	por $0x1, $0x1;
	s23 =	smul.u32 @!p1 $0x25, s21;
	s22 =	sand.u32 @!p3 $0xFE, s22  }
0x20: {  	p4 =	por @!p3 $0x1, $0x1;
	s25 =	simm.s32 @!p2 $0xFFFFFFFC;
	s22 =	sshrl.u32 @!p3 s22, $0x1  }
0x21: {  	s26 =	simm.s32 @!p3 $0x80;
	s23 =	sshrl.u32 @!p1 s23, $0x8;
	s0 =	sadd.s32 @!p3 s0, s22  }
0x22: {  	s25 =	sand.u32 @!p2 $0xFF, s25;
	s24 =	ssub.s32 @!p1 $0xFFFFFFFE, s23;
	s0 =	sand.u32 @!p3 $0xFC, s0  }
0x23: {  	p4 =	por p4, p3;
	s24 =	sand.u32 @!p1 $0xFE, s24;
	s0 =	sshrl.u32 @!p3 s0, $0x2  }
0x24: {  	[bflag:$0x0] =	sbarrier.arrive $0xFFFF;
	s24 =	sshrl.u32 @!p1 s24, $0x1;
	s0 =	smul.u32 @!p3 $0x7, s0  }
0x25: {  	s21 =	simm.s32 $0x1;
	s23 =	sadd.s32 @!p1 s23, s24;
	s24 =	smul.u32 @!p2 $0x25, s25  }
0x26: {  	s22 =	simm.s32 @!p3 $0xC4000;
	s23 =	sand.u32 @!p1 $0xFC, s23;
	s0 =	ssub.s32 @!p3 $0x0, s0  }
0x27: {  	s23 =	sshrl.u32 @!p1 s23, $0x2;
	s24 =	sshrl.u32 @!p2 s24, $0x8;
	s0 =	sand.u32 @!p3 $0xFF, s0  }
0x28: {  	s23 =	smul.u32 @!p1 $0x7, s23;
	s28 =	ssub.s32 @!p2 $0xFFFFFFFC, s24;
	s25 =	sadd.s32 @!p3 $0x1, s0  }
0x29: {  	s29 =	sadd.s32 @!p4 $0xF, s0;
	s0 =	sshll.u32 @!p3 s0, $0x8;
	s28 =	sand.u32 @!p2 $0xFE, s28  }
0x2a: {  	_ =	swait.ge @!p4 [sflag:s29], $0x1000;
	s23 =	ssub.s32 @!p1 $0xFFFFFFFE, s23;
	s28 =	sshrl.u32 @!p2 s28, $0x1  }
0x2b: {  	[sflag:s29] =	ssyncset.done @!p4 $0x0;
	s23 =	sand.u32 @!p1 $0xFF, s23;
	s24 =	sadd.s32 @!p2 s24, s28  }
0x2c: {  	[sflag:s29] =	ssyncadd.s32 @!p4 $0xFFFFF000;
	s28 =	sadd.s32 @!p1 $0x1, s23;
	s24 =	sshrl.u32 @!p2 s24, $0x2  }
0x2d: {  	[tilespmem:s0], [sflag:s25] =	stream.strided.gather @!p3 [hbm4b:s9+s26], $0x100, s22, s26, $0x38;
	[tilespmem:$0x1FDC0] =	vst v63  }
0x2e: {  	s29 =	sshll.u32 @!p1 s23, $0x8;
	s0 =	sshll.u32 @!p1 s23, $0xC;
	s22 =	smul.u32 @!p2 $0x7, s24  }
0x2f: {  	s30 =	sor.u32 @!p1 $0x8, s23;
	_ =	swait.ge @!p1 [sflag:s28], $0x100;
	s25 =	sor.u32 @!p1 $0x700, s0  }
0x30: {  	[sflag:s28] =	ssyncset.done @!p1 $0x0;
	s26 =	rddreg [dreg:$0x3];
	s0 =	ssub.s32 @!p2 $0xFFFFFFFC, s22  }
0x31: {  	s22 =	sadd.s32 $0x10, s9;
	[sflag:s28] =	ssyncadd.s32 @!p1 $0xFFFFFF00;
	s24 =	sand.u32 @!p2 $0xFF, s0  }
0x32: {  	s0 =	simm.s32 @!p1 $0x80;
	s28 =	sor.u32 @!p2 $0x8, s24;
	s1 =	sshll.u32 @!p2 s24, $0x8  }
0x33: {  	s23 =	sadd.s32 @!p2 $0xF, s24;
	s31 =	sshll.u32 @!p2 s24, $0xC;
	s24 =	sor.u32 @!p2 $0x80, s1  }
.LBB2_2:
0x34: {  	[tilespmem:s25], [sflag:s30] =	stream.indirect.gather @!p1 [hbm4b:s26+s0], $0x20, s29, s0, $0xb8;
	[tilespmem:$0x1FDC0] =	vst v63  }
0x35: {  	p4 =	sgt.u32 s21, $0xC3;
	s0 =	sor.u32 @!p2 $0x700, s31  }
0x36: {  	s25 =	smov.u32 s21;
	p6 =	por p2, p2;
	s1 =	smul.u32 @!p4 $0x25, s21  }
0x37: {  	_ =	swait.ge @!p2 [sflag:s28], $0x1000;
	p5 =	slt.u32 @!p4 s21, $0x7;
	s26 =	sadd.s32 $0xFFFFFFFE, s25  }
0x38: {  	s30 =	simm.s32 @!p6 $0x80;
	[sflag:s28] =	ssyncset.done @!p2 $0x0;
	s1 =	sshrl.u32 @!p4 s1, $0x8  }
0x39: {  	p1 =	sgt.u32 s26, $0xC3;
	[sflag:s28] =	ssyncadd.s32 @!p2 $0xFFFFF000;
	s28 =	ssub.s32 @!p4 s25, s1  }
0x3a: {  	[spmem:s2] =	stream.indirect.scatter.add.f32 @!p6 [tilespmem:s0], [sflag:s23], $0x20, s24, s30, $0xb8;
	[tilespmem:$0x1FDC0] =	vst v63  }
0x3b: {  	s21 =	sadd.s32 $0x1, s21;
	s29 =	smul.u32 @!p1 $0x25, s26;
	s28 =	sand.u32 @!p4 $0xFE, s28  }
0x3c: {  	s5 =	simm.s32 @!p4 $0x80;
	p2 =	slt.u32 s25, $0x4;
	s28 =	sshrl.u32 @!p4 s28, $0x1  }
0x3d: {  	s3 =	sadd.s32 @!p2 $0xFFFFFFFC, s25;
	s29 =	sshrl.u32 @!p1 s29, $0x8;
	s1 =	sadd.s32 @!p4 s1, s28  }
0x3e: {  	s4 =	sand.u32 @!p2 $0xFF, s3;
	s31 =	ssub.s32 @!p1 s26, s29;
	s1 =	sand.u32 @!p4 $0xFC, s1  }
0x3f: {  	s4 =	smul.u32 @!p2 $0x25, s4;
	s31 =	sand.u32 @!p1 $0xFE, s31;
	s1 =	sshrl.u32 @!p4 s1, $0x2  }
0x40: {  	p3 =	sne.s32 s21, $0xC8;
	s31 =	sshrl.u32 @!p1 s31, $0x1;
	s1 =	smul.u32 @!p4 $0x7, s1  }
0x41: {  	p5 =	por p5, p4;
	s4 =	sshrl.u32 @!p2 s4, $0x8;
	s29 =	sadd.s32 @!p1 s29, s31  }
0x42: {  	s24 =	ssub.s32 @!p2 s3, s4;
	s1 =	ssub.s32 @!p4 s25, s1;
	s25 =	sand.u32 @!p1 $0xFC, s29  }
0x43: {  	s24 =	sand.u32 @!p2 $0xFE, s24;
	s1 =	sand.u32 @!p4 $0xFF, s1;
	s25 =	sshrl.u32 @!p1 s25, $0x2  }
0x44: {  	s24 =	sshrl.u32 @!p2 s24, $0x1;
	s23 =	smul.u32 @!p1 $0x7, s25;
	s25 =	sadd.s32 @!p5 $0xF, s1  }
0x45: {  	s28 =	simm.s32 @!p4 $0xC4000;
	s4 =	sadd.s32 @!p2 s4, s24;
	_ =	swait.ge @!p5 [sflag:s25], $0x1000  }
0x46: {  	s0 =	sadd.s32 @!p4 $0x1, s1;
	s23 =	ssub.s32 @!p1 s26, s23;
	[sflag:s25] =	ssyncset.done @!p5 $0x0  }
0x47: {  	s1 =	sshll.u32 @!p4 s1, $0x8;
	s23 =	sand.u32 @!p1 $0xFF, s23;
	[sflag:s25] =	ssyncadd.s32 @!p5 $0xFFFFF000  }
0x48: {  	[tilespmem:s1], [sflag:s0] =	stream.strided.gather @!p4 [hbm4b:s22+s5], $0x100, s28, s5, $0x38;
	[tilespmem:$0x1FDC0] =	vst v63  }
0x49: {  	s4 =	sshrl.u32 @!p2 s4, $0x2;
	s24 =	sadd.s32 @!p1 $0x1, s23;
	s0 =	sshll.u32 @!p1 s23, $0xC  }
0x4a: {  	s1 =	smul.u32 @!p2 $0x7, s4;
	s29 =	sshll.u32 @!p1 s23, $0x8;
	s30 =	sor.u32 @!p1 $0x8, s23  }
.Ltmp0:
0x4b: {  	s22 =	sadd.s32 $0x10, s22;
	_ =	swait.ge @!p1 [sflag:s24], $0x100;
	(pc) =	sbr.rel @p3 .LBB2_2-.Ltmp0, $4  }
0x4c: {  	s25 =	sor.u32 @!p1 $0x700, s0;
	[sflag:s24] =	ssyncset.done @!p1 $0x0;
	s0 =	ssub.s32 @!p2 s3, s1  }
0x4d: {  	s26 =	rddreg [dreg:$0x3];
	[sflag:s24] =	ssyncadd.s32 @!p1 $0xFFFFFF00;
	s1 =	sand.u32 @!p2 $0xFF, s0  }
0x4e: {  	s0 =	simm.s32 @!p1 $0x80;
	s28 =	sor.u32 @!p2 $0x8, s1;
	s3 =	sshll.u32 @!p2 s1, $0x8  }
0x4f: {  	s23 =	sadd.s32 @!p2 $0xF, s1;
	s31 =	sshll.u32 @!p2 s1, $0xC;
	s24 =	sor.u32 @!p2 $0x80, s3  }
0x50: {  	[tilespmem:s25], [sflag:s30] =	stream.indirect.gather @!p1 [hbm4b:s26+s0], $0x20, s29, s0, $0xb8;
	[tilespmem:$0x1FDC0] =	vst v63  }
0x51: {  	_ =	swait.ge @!p2 [sflag:s28], $0x1000  }
0x52: {  	p1 =	por p2, p2;
	[sflag:s28] =	ssyncset.done @!p2 $0x0  }
0x53: {  	s0 =	sor.u32 @!p2 $0x700, s31;
	s1 =	simm.s32 @!p1 $0x80;
	[sflag:s28] =	ssyncadd.s32 @!p2 $0xFFFFF000  }
0x54: {  	[spmem:s2] =	stream.indirect.scatter.add.f32 @!p1 [tilespmem:s0], [sflag:s23], $0x20, s24, s1, $0xb8;
	[tilespmem:$0x1FDC0] =	vst v63  }
0x55: {  	_ =	swait.ge [sflag:s13], $0x1000  }
0x56: {  	[sflag:s13] =	ssyncset.done $0x0  }
0x57: {  	[sflag:s13] =	ssyncadd.s32 $0xFFFFF000  }
0x58: {  	_ =	swait.ge [sflag:s14], $0x1000  }
0x59: {  	[sflag:s14] =	ssyncset.done $0x0  }
0x5a: {  	[sflag:s14] =	ssyncadd.s32 $0xFFFFF000  }
0x5b: {  	_ =	swait.ge [sflag:s15], $0x1000  }
0x5c: {  	[sflag:s15] =	ssyncset.done $0x0  }
0x5d: {  	[sflag:s15] =	ssyncadd.s32 $0xFFFFF000  }
0x5e: {  	_ =	swait.ge [sflag:s16], $0x1000  }
0x5f: {  	[sflag:s16] =	ssyncset.done $0x0  }
0x60: {  	[sflag:s16] =	ssyncadd.s32 $0xFFFFF000  }
0x61: {  	_ =	swait.ge [sflag:s17], $0x1000  }
0x62: {  	[sflag:s17] =	ssyncset.done $0x0  }
0x63: {  	[sflag:s17] =	ssyncadd.s32 $0xFFFFF000  }
0x64: {  	_ =	swait.ge [sflag:s18], $0x1000  }
0x65: {  	[sflag:s18] =	ssyncset.done $0x0  }
0x66: {  	[sflag:s18] =	ssyncadd.s32 $0xFFFFF000  }
0x67: {  	_ =	swait.ge [sflag:s19], $0x1000  }
0x68: {  	[sflag:s19] =	ssyncset.done $0x0  }
0x69: {  	[sflag:s19] =	ssyncadd.s32 $0xFFFFF000  }
0x6a: {  	s0 =	simm.s32 @p0 $0x1FD6;
	[bflag:$0x0] =	sbarrier.arrive $0xFFFF  }
0x6b: {  	[hbm:s7], [sflag:s0] =	dma.local @p0 [spmem:s10], $0x3060  }
0x6c: {  	s0 =	simm.s32 @p0 $0x16  }
0x6d: {  	s20 =	sadd.s32 $0x1, s20;
	_ =	swait.ge @p0 [sflag:s0], $0x3060  }
0x6e: {  	p1 =	sne.s32 s20, s8;
	[sflag:s0] =	ssyncset.done @p0 $0x0  }
.Ltmp1:
0x6f: {  	[sflag:s0] =	ssyncadd.s32 @p0 $0xFFFFCFA0;
	s0 =	simm.s32 @!p0 $0x16;
	(pc) =	sbr.rel @p1 .LBB2_1-.Ltmp1, $4  }
0x70: {  	[hbm:s6], [sflag:s11] =	dma.local @!p0 [spmem:s12], $0x30E0  }
0x71: {  	_ =	swait.ge @!p0 [sflag:s0], $0x30E0  }
0x72: {  	[sflag:s0] =	ssyncset.done @!p0 $0x0  }
0x73: {  	[sflag:s0] =	ssyncadd.s32 @!p0 $0xFFFFCF20  }
0x74: {  	_ =	sfence.sel $0x180000  }
0x75: {  	[bflag:$0x0] =	sbarrier.arrive $0xFFFF  }
0x76: {  	_ =	strace $0x9000004D  }
0x77: {  	s0 =	stileid.u32;
	[bflag:$0x2] =	sbarrier.arrive $0xFFFF  }
0x78: {  	p0 =	sne.s32 s0, $0x0;
	s0 =	rddreg [dreg:$0x2]  }
0x79: {  	s0 =	sadd.s32 @!p0 $0x100000, s0  }
0x7a: {  	[sflag:s0] =	ssyncadd.tile.s32 @!p0 $0x1;
	_ =	shalt  }
.Lfunc_end2:
_tile_overlayer_lowered:
.L_overlay_start_2:
0x7b: {  	(tag) =	ssettag $0x2  }
0x7c: {  	s0 =	rddreg [dreg:$0x0];
	s2 =	stileid.u32  }
0x7d: {  	s1 =	rddreg [dreg:$0x1];
	p0 =	sne.s32 s2, $0x0  }
0x7e: {  	s3 =	rddreg [dreg:$0x2];
	[bflag:$0x3] =	sbarrier.arrive $0xFFFF;
	s2 =	simm.s32 @!p0 $0x1C16  }
0x7f: {  	[timem:s3], [sflag:s2] =	dma.local @!p0 [hbm:s0], s1  }
0x80: {  	s0 =	simm.s32 @!p0 $0x16  }
0x81: {  	_ =	swait.ge @!p0 [sflag:s0], s1  }
0x82: {  	s1 =	ssub.s32 @!p0 $0x0, s1;
	[sflag:s0] =	ssyncset.done @!p0 $0x0  }
0x83: {  	[sflag:s0] =	ssyncadd.s32 @!p0 s1  }
0x84: {  	[bflag:$0x3] =	sbarrier.arrive $0xFFFF  }
0x85: {  	_ =	shalt  }

// kernel: kernel.8.cloned.1.call-start
scs
__scs_entry_jumppad:
0x0: {  	(pc) =	sbr.rel $0x88, $3  }
0x1: {  	(tag) =	ssettag $0x0;
	lr =	simm.s32 $0x1  }
0x2: {  	[smem:$0x3F99] =	sst lr;
	_ =	strace $0xD0000000  }
0x3: {  	_ = 	snop  }
0x4: {  	_ = 	snop  }
0x5: {  	_ = 	snop  }
0x6: {  	_ = 	snop  }
0x7: {  	_ = 	snop  }
__scs_overlays_trampoline_lowered:
0x8: {  	[smem:$0x3FA8] =	sst s0  }
0x9: {  	[smem:$0x3FA9] =	sst s1  }
0xa: {  	[smem:$0x3FAA] =	sst s2  }
0xb: {  	[smem:$0x3FAB] =	sst s3  }
0xc: {  	[smem:$0x3FAC] =	sst s4  }
0xd: {  	[smem:$0x3FAD] =	sst s5  }
0xe: {  	[smem:$0x3FAE] =	sst s6  }
0xf: {  	[smem:$0x3FAF] =	sst s7  }
0x10: {  	[smem:$0x3FB0] =	sst s8  }
0x11: {  	[smem:$0x3FB1] =	sst s9;
	s0 =	simm.s32 @!p0 $0x0  }
0x12: {  	s1 =	sld [smem:$0x3F97];
	s0 =	simm.s32 @p0 $0x1  }
0x13: {  	[smem:$0x3FB2] =	sst s0;
	s0 =	simm.s32 @!p1 $0x0  }
0x14: {  	s2 =	sld [smem:$0x3F96];
	s0 =	simm.s32 @p1 $0x1  }
0x15: {  	[smem:$0x3FB3] =	sst s0;
	s0 =	simm.s32 @!p2 $0x0  }
0x16: {  	s3 =	sld [smem:$0x3FDB];
	s0 =	simm.s32 @p2 $0x1  }
0x17: {  	s4 =	simm.s32 $0x1BF5;
	[smem:$0x3FB5] =	sst s0  }
0x18: {  	s0 =	sld [smem:$0x3F98];
	_ =	swait.ge [sflag:s4], $0x0  }
0x19: {  	s7 =	sld [smem:$0x3F99]  }
0x1a: {  	s8 =	sadd.s32 $0xFFFFE003, lr  }
0x1b: {  	s9 =	sadd.s32 $0xFFFFFEF7, lr;
	s5 =	simm.s32 $0xFFFFFFFF;
	p2 =	slt.u32 s8, $0xFFFFF086  }
0x1c: {  	p1 =	slt.u32 s9, $0xF7A;
	s5 =	simm.s32 @!p2 $0x0  }
0x1d: {  	s5 =	simm.s32 @p1 $0x1;
	p0 =	seq.s32 s7, s2  }
0x1e: {  	s7 =	smul.u32 @!p0 $0xF7A, s2;
	p2 =	seq.s32 @!p0 s5, $0x0  }
0x1f: {  	s9 =	smul.u32 $0xF7A, s1;
	s8 =	simm.s32 @!p0 $0x1BF5;
	p2 =	por !p2, p0  }
0x20: {  	[sflag:s8] =	ssyncset.s32 @!p0 $0xFFFFF086;
	s6 =	sadd.s32 @!p0 s3, s7;
	s7 =	simm.s32 @!p0 $0x108  }
0x21: {  	s3 =	sadd.s32 s3, s9;
	s6 =	sadd.s32 @!p0 $0x88, s6;
	s7 =	simm.s32 @p2 $0x1082  }
0x22: {  	[simem:s7], [sflag:s8] =	dma.local @!p0 [hbm:s6], $0xF7A  }
0x23: {  	s9 =	sor.u32 $0xD0000000, s2;
	s6 =	simm.s32 $0x108;
	_ =	swait.ge @!p0 [sflag:s8], $0x0  }
0x24: {  	s3 =	sadd.s32 $0x88, s3;
	s6 =	simm.s32 @!p1 $0x1082;
	[sflag:s4] =	ssyncset.s32 $0xFFFFF086  }
0x25: {  	[simem:s6], [sflag:s4] =	dma.local [hbm:s3], $0xF7A  }
0x26: {  	[smem:$0x3F99] =	sst s1;
	(tag) =	ssettag s2;
	_ =	strace s9  }
0x27: {  	s1 =	sld [smem:$0x3FA9]  }
0x28: {  	s2 =	sld [smem:$0x3FAA]  }
0x29: {  	s4 =	sld [smem:$0x3FAC]  }
0x2a: {  	p0 =	seq.s32 s5, $0x0;
	s5 =	sld [smem:$0x3FAD]  }
0x2b: {  	s6 =	sld [smem:$0x3FAE]  }
0x2c: {  	s7 =	sld [smem:$0x3FAF]  }
0x2d: {  	s3 =	simm.s32 $0x108;
	s8 =	sld [smem:$0x3FB0]  }
0x2e: {  	s3 =	simm.s32 @!p0 $0x1082;
	s9 =	sld [smem:$0x3FB1]  }
0x2f: {  	lr =	sadd.s32 s0, s3;
	s0 =	sld [smem:$0x3FA8]  }
0x30: {  	s3 =	sld [smem:$0x3FAB]  }
0x31: {  	[smem:$0x3FB4] =	sst s10  }
0x32: {  	s10 =	sld [smem:$0x3FB2];
	_ =	sdelay $0x3  }
0x33: {  	p0 =	seq.s32 s10, $0x1;
	s10 =	sld [smem:$0x3FB4];
	_ =	sdelay $0x3  }
0x34: {  	[smem:$0x3FB4] =	sst s10  }
0x35: {  	s10 =	sld [smem:$0x3FB3];
	_ =	sdelay $0x3  }
0x36: {  	p1 =	seq.s32 s10, $0x1;
	s10 =	sld [smem:$0x3FB4];
	_ =	sdelay $0x3  }
0x37: {  	[smem:$0x3FB4] =	sst s10  }
0x38: {  	s10 =	sld [smem:$0x3FB5]  }
0x39: {  	_ = 	snop;
	(pc) =	sbr.ind lr, $3  }
0x3a: {  	_ = 	snop  }
0x3b: {  	_ = 	snop  }
0x3c: {  	p2 =	seq.s32 s10, $0x1;
	s10 =	sld [smem:$0x3FB4]  }
0x3d: {  	_ =	shalt  }
0x3e: {  	_ =	shalt  }
0x3f: {  	_ =	shalt  }
0x40: {  	_ =	shalt  }
0x41: {  	_ =	shalt  }
0x42: {  	_ =	shalt  }
0x43: {  	_ =	shalt  }
0x44: {  	_ =	shalt  }
0x45: {  	_ =	shalt  }
0x46: {  	_ =	shalt  }
0x47: {  	_ =	shalt  }
0x48: {  	_ =	shalt  }
0x49: {  	_ =	shalt  }
0x4a: {  	_ =	shalt  }
0x4b: {  	_ =	shalt  }
0x4c: {  	_ =	shalt  }
0x4d: {  	_ =	shalt  }
0x4e: {  	_ =	shalt  }
0x4f: {  	_ =	shalt  }
0x50: {  	_ =	shalt  }
0x51: {  	_ =	shalt  }
0x52: {  	_ =	shalt  }
0x53: {  	_ =	shalt  }
0x54: {  	_ =	shalt  }
0x55: {  	_ =	shalt  }
0x56: {  	_ =	shalt  }
0x57: {  	_ =	shalt  }
0x58: {  	_ =	shalt  }
0x59: {  	_ =	shalt  }
0x5a: {  	_ =	shalt  }
0x5b: {  	_ =	shalt  }
0x5c: {  	_ =	shalt  }
0x5d: {  	_ =	shalt  }
0x5e: {  	_ =	shalt  }
0x5f: {  	_ =	shalt  }
0x60: {  	_ =	shalt  }
0x61: {  	_ =	shalt  }
0x62: {  	_ =	shalt  }
0x63: {  	_ =	shalt  }
0x64: {  	_ =	shalt  }
0x65: {  	_ =	shalt  }
0x66: {  	_ =	shalt  }
0x67: {  	_ =	shalt  }
0x68: {  	_ =	shalt  }
0x69: {  	_ =	shalt  }
0x6a: {  	_ =	shalt  }
0x6b: {  	_ =	shalt  }
0x6c: {  	_ =	shalt  }
0x6d: {  	_ =	shalt  }
0x6e: {  	_ =	shalt  }
0x6f: {  	_ =	shalt  }
0x70: {  	_ =	shalt  }
0x71: {  	_ =	shalt  }
0x72: {  	_ =	shalt  }
0x73: {  	_ =	shalt  }
0x74: {  	_ =	shalt  }
0x75: {  	_ =	shalt  }
0x76: {  	_ =	shalt  }
0x77: {  	_ =	shalt  }
0x78: {  	_ =	shalt  }
0x79: {  	_ =	shalt  }
0x7a: {  	_ =	shalt  }
0x7b: {  	_ =	shalt  }
0x7c: {  	_ =	shalt  }
0x7d: {  	_ =	shalt  }
0x7e: {  	_ =	shalt  }
0x7f: {  	_ =	shalt  }
0x80: {  	_ =	shalt  }
0x81: {  	_ =	shalt  }
0x82: {  	_ =	shalt  }
0x83: {  	_ =	shalt  }
0x84: {  	_ =	shalt  }
0x85: {  	_ =	shalt  }
0x86: {  	_ =	shalt  }
0x87: {  	_ =	shalt  }
.Lfunc_end0:
.L_simem_size_0:
called_computation_lowered:
.L_overlay_start_0:
0x88: {  	s2 =	sld [smem:$0x3FD9]  }
0x89: {  	s3 =	sld [smem:$0x3FFE];
	_ =	sdelay $0x1  }
0x8a: {  	s1 =	srdreg.scid  }
0x8b: {  	s0 =	sand.u32 $0x1, s1  }
0x8c: {  	s17 =	sshll.u32 s0, $0xA;
	s2 =	sadd.s32 s3, s2  }
0x8d: {  	s2 =	sadd.s32 s2, s17  }
0x8e: {  	[smem:$0x3FC0] =	sst s2  }
0x8f: {  	_ = 	snop  }
0x90: {  	s2 =	sld [smem:$0x3FD0];
	(tm) =	ssettm $0x1  }
0x91: {  	s18 =	sld [smem:$0x3FFB];
	_ =	sdelay $0x3  }
0x92: {  	_ =	strace s18  }
0x93: {  	s3 =	sld [smem:$0x3FFC];
	_ =	sdelay $0x3  }
0x94: {  	_ =	strace s3  }
0x95: {  	s3 =	sld [smem:$0x3FFD];
	_ =	sdelay $0x3  }
0x96: {  	_ =	strace s3  }
0x97: {  	_ =	strace $0x8FFFFFFF  }
0x98: {  	s19 =	sld [smem:$0x3FDB];
	_ =	sdelay $0x1  }
0x99: {  	s4 =	simm.s32 $_scs_section_size  }
0x9a: {  	s5 =	simm.s32 $_size__tile_overlayer_lowered;
	s6 =	simm.s32 $_tile_overlayer_lowered  }
0x9b: {  	s22 =	simm.s32 $0x1BFF;
	s21 =	sshll.u32 s6, $0x1;
	s3 =	sadd.s32 s4, s19  }
0x9c: {  	s7 =	simm.s32 $0x0;
	s20 =	sshll.u32 s5, $0x1;
	s5 =	sadd.s32 s21, s3  }
0x9d: {  	[timem:s7], [sflag:s22] =	dma.local [hbm:s5], s20  }
0x9e: {  	_ =	swait.ge [sflag:s22], s20  }
0x9f: {  	s4 =	ssub.s32 $0x0, s20;
	[sflag:s22] =	ssyncset.done $0x0  }
0xa0: {  	[sflag:s22] =	ssyncadd.s32 s4;
	_ =	sdelay $0x1  }
0xa1: {  	s23 =	simm.s32 $0x1B8B  }
0xa2: {  	_ =	swait.ge [sflag:s23], $0x1  }
0xa3: {  	[sflag:s23] =	ssyncset.done $0x0  }
0xa4: {  	s25 =	simm.s32 $0x1B8E;
	s24 =	sld [smem:$0x3FFE];
	[sflag:s23] =	ssyncadd.s32 $0xFFFFFFFF  }
0xa5: {  	s26 =	simm.s32 $execute0_lowered;
	[smem:$0x3FD2] =	sst s25  }
0xa6: {  	s5 =	sshll.u32 s26, $0x1;
	_ =	strace $0x80000046;
	[dreg:$0x1] =	wrdreg $0xFFFFFFFF  }
0xa7: {  	s28 =	simm.s32 $_size_execute0_lowered;
	s3 =	sadd.s32 s3, s5;
	[dreg:$0x0] =	wrdreg $0x0  }
0xa8: {  	s5 =	sshll.u32 s28, $0x1;
	[dreg:$0x2] =	wrdreg s3  }
0xa9: {  	[dreg:$0x3] =	wrdreg s5  }
0xaa: {  	[dreg:$0x4] =	wrdreg $0xC0  }
0xab: {  	_ =	task [dreg:s7], $0x5FFFF  }
0xac: {  	[dreg:$0x1] =	wrdreg $0xFFFFFFFF  }
0xad: {  	[dreg:$0x0] =	wrdreg $0x60  }
0xae: {  	[dreg:$0x2] =	wrdreg s24  }
0xaf: {  	[dreg:$0x3] =	wrdreg s2  }
0xb0: {  	[dreg:$0x4] =	wrdreg $0x17000  }
0xb1: {  	[dreg:$0x5] =	wrdreg $0x9  }
0xb2: {  	_ =	task.clear_ibuf [dreg:s7], $0x6FFFF;
	_ =	strace $0x90000046  }
0xb3: {  	s29 =	simm.s32 $0x9;
	_ =	strace $0x80000048  }
0xb4: {  	_ =	swait.ge [sflag:s29], $0x1  }
0xb5: {  	[sflag:s29] =	ssyncadd.s32 $0xFFFFFFFF  }
0xb6: {  	_ =	strace $0x90000048  }
0xb7: {  	_ =	sfence  }
0xb8: {  	s30 =	sld [smem:$0x0];
	_ =	sdelay $0x2  }
0xb9: {  	s31 =	sshll.u32 s1, $0xD;
	s1 =	sshrl.u32 s1, $0x2  }
0xba: {  	s3 =	sand.u32 $0x4000, s31;
	s1 =	sadd.s32 s1, s30  }
0xbb: {  	s0 =	sor.u32 s3, s0;
	s1 =	sshll.u32 s1, $0x11  }
0xbc: {  	s0 =	sor.u32 s1, s0  }
0xbd: {  	s0 =	sadd.s32 $0x8F2B, s0  }
0xbe: {  	[sflag:s0] =	ssyncadd.remote.s32 $0x1  }
0xbf: {  	_ =	sfence.sel $0xFFFF  }
0xc0: {  	[dreg:$0x0] =	wrdreg $0xFFFFFFFF;
	(pc) =	sbr.abs _section_cstart, $3  }
0xc1: {  	[dreg:$0x1] =	wrdreg $0xFFFFFFFF  }
0xc2: {  	_ =	task.clear_ibuf [dreg:s7], $0x2FFFF;
	_ =	strace $0x9FFFFFFF  }
0xc3: {  	(tm) =	ssettm $0x7FFFFFFF  }
tec
execute0_lowered:
.L_overlay_start_1:
0x0: {  	(tag) =	ssettag $0x1  }
0x1: {  	s6 =	rddreg [dreg:$0x0]  }
0x2: {  	s1 =	srdreg.scid;
	s2 =	rddreg [dreg:$0x1]  }
0x3: {  	s0 =	stileid.u32;
	s3 =	rddreg [dreg:$0x2];
	s4 =	simm.s32 $0x0  }
0x4: {  	s15 =	simm.s32 $0xF;
	s16 =	simm.s32 $0x80;
	s17 =	simm.s32 $0x8  }
0x5: {  	s18 =	simm.s32 $0x9;
	s19 =	simm.s32 $0xA;
	s20 =	simm.s32 $0xB  }
0x6: {  	s21 =	simm.s32 $0xC;
	s22 =	simm.s32 $0xD;
	s23 =	simm.s32 $0xE  }
0x7: {  	s5 =	sand.u32 $0x1, s1;
	s7 =	smul.u32 $0xC400, s0;
	s1 =	rddreg [dreg:$0x3]  }
0x8: {  	s24 =	simm.s32 $0x0;
	[smem:$0x7FF] =	sst s4;
	s28 =	smul.u32 $0x18700, s0  }
0x9: {  	s13 =	sadd.s32 $0x65800, s6;
	p0 =	seq.s32 s0, $0xF;
	s8 =	smul.u32 $0x6200, s5  }
0xa: {  	_ =	strace $0x80000047;
	s9 =	ssub.s32 $0x2, s5;
	s12 =	smul.u32 $0x186C00, s5  }
0xb: {  	s29 =	sshrl.u32 s28, $0x3;
	s11 =	sshrl.u32 s9, $0x1;
	s14 =	sadd.s32 s28, s3  }
0xc: {  	s7 =	sadd.s32 s8, s7;
	s9 =	ssub.s32 s9, s11;
	s11 =	sadd.s32 $0x16E900, s3  }
0xd: {  	s30 =	sadd.s32 s28, s12;
	s31 =	sshrl.u32 s12, $0x3;
	s12 =	sshll.u32 @!p0 s0, $0x6  }
0xe: {  	s7 =	sshrl.u32 s7, $0x3;
	s8 =	sadd.s32 s13, s31;
	s9 =	smax.u32 s9, $0x1  }
0xf: {  	s11 =	sshrl.u32 @p0 s11, $0x3;
	s12 =	sor.u32 @!p0 $0x1C0F, s12;
	s10 =	sadd.s32 s7, s6  }
0x10: {  	s7 =	sadd.s32 s29, s6;
	s6 =	sadd.s32 $0x62720, s6;
	s8 =	sadd.s32 $0x2DD20, s8  }
0x11: {  	s5 =	sadd.s32 $0x34A00, s7;
	s7 =	sshrl.u32 s30, $0x3;
	s10 =	sadd.s32 $0x3A00, s10  }
0x12: {  	s7 =	sadd.s32 s13, s7;
	s13 =	sshrl.u32 @!p0 s14, $0x3;
	s14 =	simm.s32 $0x700  }
.LBB2_1:
0x13: {  	s25 =	simm.s32 @p0 $0x1FCF  }
0x14: {  	[spmem:s11], [sflag:s25] =	dma.local @p0 [hbm:s6], $0x3060  }
0x15: {  	s25 =	simm.s32 @p0 $0xF  }
0x16: {  	_ =	swait.ge @p0 [sflag:s25], $0x3060  }
0x17: {  	[sflag:s25] =	ssyncset.done @p0 $0x0  }
0x18: {  	[sflag:s25] =	ssyncadd.s32 @p0 $0xFFFFCFA0;
	s25 =	simm.s32 @!p0 $0xF  }
0x19: {  	[spmem:s13], [sflag:s12] =	dma.local @!p0 [hbm:s5], $0x30E0  }
0x1a: {  	_ =	swait.ge @!p0 [sflag:s25], $0x30E0  }
0x1b: {  	[sflag:s25] =	ssyncset.done @!p0 $0x0  }
0x1c: {  	[sflag:s25] =	ssyncadd.s32 @!p0 $0xFFFFCF20  }
0x1d: {  	[tilespmem:s14], [sflag:$0xF] =	stream.linear.gather [hbm4b:s2+s4], $0x1000, $0x38;
	[tilespmem:$0x19DC0] =	vst v63  }
0x1e: {  	_ =	swait.ge [sflag:s15], $0x1000  }
0x1f: {  	[sflag:s15] =	ssyncset.done $0x0  }
0x20: {  	[sflag:s15] =	ssyncadd.s32 $0xFFFFF000  }
0x21: {  	s26 =	simm.s32 $0x0;
	s25 =	smov.u32 s10;
	[bflag:$0x0] =	sbarrier.arrive $0xFFFF  }
.LBB2_2:
0x22: {  	p1 =	sgt.u32 s26, $0xC3  }
0x23: {  	s28 =	smul.u32 @!p1 $0x25, s26;
	_ =	sdelay $0x1  }
0x24: {  	s28 =	sshrl.u32 @!p1 s28, $0x8  }
0x25: {  	s29 =	ssub.s32 @!p1 s26, s28  }
0x26: {  	s29 =	sand.u32 @!p1 $0xFE, s29  }
0x27: {  	s29 =	sshrl.u32 @!p1 s29, $0x1  }
0x28: {  	s28 =	sadd.s32 @!p1 s28, s29  }
0x29: {  	s28 =	sand.u32 @!p1 $0xFC, s28  }
0x2a: {  	s28 =	sshrl.u32 @!p1 s28, $0x2  }
0x2b: {  	s28 =	smul.u32 @!p1 $0x7, s28;
	_ =	sdelay $0x1  }
0x2c: {  	p2 =	slt.u32 @!p1 s26, $0x7;
	s28 =	ssub.s32 @!p1 s26, s28  }
0x2d: {  	p2 =	por p2, p1;
	s28 =	sand.u32 @!p1 $0xFF, s28  }
0x2e: {  	s29 =	sadd.s32 @!p2 $0x8, s28  }
0x2f: {  	_ =	swait.ge @!p2 [sflag:s29], $0x1000  }
0x30: {  	[sflag:s29] =	ssyncset.done @!p2 $0x0  }
0x31: {  	s30 =	simm.s32 @!p1 $0x80;
	s31 =	simm.s32 @!p1 $0xC4000;
	[sflag:s29] =	ssyncadd.s32 @!p2 $0xFFFFF000  }
0x32: {  	s29 =	sshll.u32 @!p1 s28, $0x8;
	s28 =	sadd.s32 @!p1 $0x1, s28;
	p2 =	slt.u32 @!p1 s26, $0x2  }
0x33: {  	[tilespmem:s29], [sflag:s28] =	stream.strided.gather @!p1 [hbm4b:s25+s30], $0x100, s31, s30, $0x38;
	[tilespmem:$0x19DC0] =	vst v63  }
0x34: {  	p1 =	por p1, !p2  }
0x35: {  	s28 =	sadd.s32 @p1 $0xFFFFFFFE, s26  }
0x36: {  	s29 =	sand.u32 @p1 $0xFF, s28  }
0x37: {  	s29 =	smul.u32 @p1 $0x25, s29;
	_ =	sdelay $0x1  }
0x38: {  	s29 =	sshrl.u32 @p1 s29, $0x8  }
0x39: {  	s30 =	ssub.s32 @p1 s28, s29  }
0x3a: {  	s30 =	sand.u32 @p1 $0xFE, s30  }
0x3b: {  	s30 =	sshrl.u32 @p1 s30, $0x1  }
0x3c: {  	s29 =	sadd.s32 @p1 s29, s30  }
0x3d: {  	s29 =	sshrl.u32 @p1 s29, $0x2  }
0x3e: {  	s29 =	smul.u32 @p1 $0x7, s29;
	_ =	sdelay $0x1  }
0x3f: {  	s28 =	ssub.s32 @p1 s28, s29  }
0x40: {  	s28 =	sand.u32 @p1 $0xFF, s28  }
0x41: {  	s29 =	sadd.s32 @p1 $0x1, s28  }
0x42: {  	_ =	swait.ge @p1 [sflag:s29], $0x100  }
0x43: {  	s26 =	sadd.s32 $0x1, s26;
	s30 =	sshll.u32 @p1 s28, $0x8;
	[sflag:s29] =	ssyncset.done @p1 $0x0  }
0x44: {  	s28 =	sor.u32 @p1 $0x8, s28;
	[sflag:s29] =	ssyncadd.s32 @p1 $0xFFFFFF00;
	s29 =	sor.u32 @p1 $0x80, s30  }
0x45: {  	[spmem:s3] =	stream.indirect.scatter.add.f32 @p1 [tilespmem:s14], [sflag:s28], $0x20, s29, s16, $0xb8;
	[tilespmem:$0x19DC0] =	vst v63  }
0x46: {  	p1 =	sne.s32 s26, $0xC6  }
.Ltmp0:
0x47: {  	_ = 	snop;
	(pc) =	sbr.rel @p1 .LBB2_2-.Ltmp0, $2  }
0x48: {  	_ =	sdelay $0x2  }
0x49: {  	s25 =	sadd.s32 $0x10, s25  }
0x4a: {  	_ =	swait.ge [sflag:s17], $0x1000  }
0x4b: {  	[sflag:s17] =	ssyncset.done $0x0  }
0x4c: {  	[sflag:s17] =	ssyncadd.s32 $0xFFFFF000  }
0x4d: {  	_ =	swait.ge [sflag:s18], $0x1000  }
0x4e: {  	[sflag:s18] =	ssyncset.done $0x0  }
0x4f: {  	[sflag:s18] =	ssyncadd.s32 $0xFFFFF000  }
0x50: {  	_ =	swait.ge [sflag:s19], $0x1000  }
0x51: {  	[sflag:s19] =	ssyncset.done $0x0  }
0x52: {  	[sflag:s19] =	ssyncadd.s32 $0xFFFFF000  }
0x53: {  	_ =	swait.ge [sflag:s20], $0x1000  }
0x54: {  	[sflag:s20] =	ssyncset.done $0x0  }
0x55: {  	[sflag:s20] =	ssyncadd.s32 $0xFFFFF000  }
0x56: {  	_ =	swait.ge [sflag:s21], $0x1000  }
0x57: {  	[sflag:s21] =	ssyncset.done $0x0  }
0x58: {  	[sflag:s21] =	ssyncadd.s32 $0xFFFFF000  }
0x59: {  	_ =	swait.ge [sflag:s22], $0x1000  }
0x5a: {  	[sflag:s22] =	ssyncset.done $0x0  }
0x5b: {  	[sflag:s22] =	ssyncadd.s32 $0xFFFFF000  }
0x5c: {  	_ =	swait.ge [sflag:s23], $0x1000  }
0x5d: {  	[sflag:s23] =	ssyncset.done $0x0  }
0x5e: {  	[sflag:s23] =	ssyncadd.s32 $0xFFFFF000  }
0x5f: {  	s25 =	simm.s32 @p0 $0x1FCF;
	[bflag:$0x0] =	sbarrier.arrive $0xFFFF  }
0x60: {  	[hbm:s8], [sflag:s25] =	dma.local @p0 [spmem:s11], $0x3060  }
0x61: {  	s25 =	simm.s32 @p0 $0xF  }
0x62: {  	s24 =	sadd.s32 $0x1, s24;
	_ =	swait.ge @p0 [sflag:s25], $0x3060  }
0x63: {  	p1 =	sne.s32 s24, s9;
	[sflag:s25] =	ssyncset.done @p0 $0x0  }
.Ltmp1:
0x64: {  	[sflag:s25] =	ssyncadd.s32 @p0 $0xFFFFCFA0;
	s25 =	simm.s32 @!p0 $0xF;
	(pc) =	sbr.rel @p1 .LBB2_1-.Ltmp1, $4  }
0x65: {  	[hbm:s7], [sflag:s12] =	dma.local @!p0 [spmem:s13], $0x30E0  }
0x66: {  	_ =	swait.ge @!p0 [sflag:s25], $0x30E0  }
0x67: {  	[sflag:s25] =	ssyncset.done @!p0 $0x0  }
0x68: {  	[sflag:s25] =	ssyncadd.s32 @!p0 $0xFFFFCF20  }
0x69: {  	_ =	sfence.sel $0x180000  }
0x6a: {  	[bflag:$0x0] =	sbarrier.arrive $0xFFFF  }
0x6b: {  	p0 =	sne.s32 s0, $0x0;
	_ =	strace $0x90000047  }
0x6c: {  	s0 =	sadd.s32 @!p0 $0x100000, s1;
	[bflag:$0x2] =	sbarrier.arrive $0xFFFF  }
0x6d: {  	[sflag:s0] =	ssyncadd.tile.s32 @!p0 $0x1;
	_ =	shalt  }
.Lfunc_end2:
_tile_overlayer_lowered:
.L_overlay_start_2:
0x6e: {  	(tag) =	ssettag $0x2  }
0x6f: {  	s0 =	rddreg [dreg:$0x0];
	s2 =	stileid.u32  }
0x70: {  	s1 =	rddreg [dreg:$0x1];
	p0 =	sne.s32 s2, $0x0  }
0x71: {  	s3 =	rddreg [dreg:$0x2];
	[bflag:$0x3] =	sbarrier.arrive $0xFFFF;
	s2 =	simm.s32 @!p0 $0x1C0F  }
0x72: {  	[timem:s3], [sflag:s2] =	dma.local @!p0 [hbm:s0], s1  }
0x73: {  	s0 =	simm.s32 @!p0 $0xF  }
0x74: {  	_ =	swait.ge @!p0 [sflag:s0], s1  }
0x75: {  	s1 =	ssub.s32 @!p0 $0x0, s1;
	[sflag:s0] =	ssyncset.done @!p0 $0x0  }
0x76: {  	[sflag:s0] =	ssyncadd.s32 @!p0 s1  }
0x77: {  	[bflag:$0x3] =	sbarrier.arrive $0xFFFF  }
0x78: {  	_ =	shalt  }

</sc_bundles>
